<compile_context>
chip_gen: v7x
topology: tpu7x:2x2x1
jax: 0.10.2.dev20260603
libtpu: 0.0.44.dev20260713+nightly
codegen_flags: <defaults>
</compile_context>

<pallas_src>
import functools

import jax
import jax.numpy as jnp
from jax import lax
from jax.experimental import pallas as pl
from jax.experimental.pallas import tpu as pltpu
from jax.experimental.pallas import tpu_sc as plsc

N = 10000
E = 160000
EP8 = E // 8
NG = 64
CI = 16
LN = 128
CEH = 32
CW = 256

NT = 32
CPT = E // NT
CHK = 125
NCHK = 40
NPAD = 10016
NSUB = 16
RPS = NPAD // NSUB


@functools.lru_cache(maxsize=None)
def _sc_kernels():
    mesh = plsc.VectorSubcoreMesh(core_axis_name="c", subcore_axis_name="s")
    params = pltpu.CompilerParams(use_tc_tiling_on_sc=False)

    @functools.partial(
        pl.kernel,
        out_type=jax.ShapeDtypeStruct((E, CI), jnp.float32),
        mesh=mesh,
        scratch_types=[
            pltpu.VMEM((NCHK, CHK), jnp.int32),
            pltpu.VMEM((CPT, CI), jnp.float32),
            pltpu.VMEM_SHARED((NPAD, CI), jnp.float32),
        ],
        compiler_params=params,
        name="sc_gather",
    )
    def _sc_gather(table_hbm, idx_hbm, out_hbm, idx_v, rows_v, tab_sh):
        s = lax.axis_index("s")
        wid = s * 2 + lax.axis_index("c")
        pltpu.sync_copy(table_hbm.at[pl.ds(s * RPS, RPS)],
                        tab_sh.at[pl.ds(s * RPS, RPS)])
        pltpu.sync_copy(idx_hbm.at[wid], idx_v)
        plsc.subcore_barrier()

        def body(k, carry):
            pltpu.sync_copy(tab_sh.at[idx_v.at[k]],
                            rows_v.at[pl.ds(k * CHK, CHK)])
            return carry

        lax.fori_loop(0, NCHK, body, 0)
        pltpu.sync_copy(rows_v, out_hbm.at[pl.ds(wid * CPT, CPT)])

    @functools.partial(
        pl.kernel,
        out_type=(jax.ShapeDtypeStruct((NPAD, CI), jnp.float32),
                  jax.ShapeDtypeStruct((E, CI), jnp.float32)),
        mesh=mesh,
        scratch_types=[
            pltpu.VMEM((NCHK, CHK), jnp.int32),
            pltpu.VMEM((CPT, CI), jnp.float32),
            pltpu.VMEM((RPS, CI), jnp.float32),
            pltpu.VMEM((RPS, CI), jnp.float32),
            pltpu.VMEM((RPS, CI), jnp.float32),
            pltpu.VMEM_SHARED((NPAD, CI), jnp.float32),
        ],
        compiler_params=params,
        name="sc_node_gather",
    )
    def _sc_node_gather(agg_hbm, xrb_hbm, idx_hbm, h_hbm, out_hbm,
                        idx_v, rows_v, a_v, b_v, c_v, tab_sh):
        s = lax.axis_index("s")
        wid = s * 2 + lax.axis_index("c")
        pltpu.sync_copy(agg_hbm.at[0, pl.ds(s * RPS, RPS)], a_v)
        pltpu.sync_copy(agg_hbm.at[1, pl.ds(s * RPS, RPS)], b_v)
        pltpu.sync_copy(xrb_hbm.at[pl.ds(s * RPS, RPS)], c_v)
        pltpu.sync_copy(idx_hbm.at[wid], idx_v)

        def rowbody(i, carry):
            a_v[i] = jnp.maximum(a_v[i] + b_v[i] + c_v[i], 0.0)
            return carry

        lax.fori_loop(0, RPS, rowbody, 0)
        pltpu.sync_copy(a_v, tab_sh.at[pl.ds(s * RPS, RPS)])
        pltpu.sync_copy(a_v, h_hbm.at[pl.ds(s * RPS, RPS)])
        plsc.subcore_barrier()

        def body(k, carry):
            pltpu.sync_copy(tab_sh.at[idx_v.at[k]],
                            rows_v.at[pl.ds(k * CHK, CHK)])
            return carry

        lax.fori_loop(0, NCHK, body, 0)
        pltpu.sync_copy(rows_v, out_hbm.at[pl.ds(wid * CPT, CPT)])

    @functools.partial(
        pl.kernel,
        out_type=jax.ShapeDtypeStruct((2, NPAD, CI), jnp.float32),
        mesh=mesh,
        scratch_types=[
            pltpu.VMEM((NCHK, CHK), jnp.int32),
            pltpu.VMEM((CPT, CI), jnp.float32),
            pltpu.VMEM_SHARED((NPAD, CI), jnp.float32),
        ],
        compiler_params=params,
        name="sc_scatter",
    )
    def _sc_scatter(msg_hbm, idx_hbm, zeros_hbm, out_hbm, idx_v, rows_v,
                    acc_sh):
        c = lax.axis_index("c")
        s = lax.axis_index("s")
        wid = s * 2 + c
        pltpu.sync_copy(zeros_hbm.at[pl.ds(s * RPS, RPS)],
                        acc_sh.at[pl.ds(s * RPS, RPS)])
        pltpu.sync_copy(idx_hbm.at[wid], idx_v)
        pltpu.sync_copy(msg_hbm.at[pl.ds(wid * CPT, CPT)], rows_v)
        plsc.subcore_barrier()

        def body(k, carry):
            pltpu.sync_copy(rows_v.at[pl.ds(k * CHK, CHK)],
                            acc_sh.at[idx_v.at[k]], add=True)
            return carry

        lax.fori_loop(0, NCHK, body, 0)
        plsc.subcore_barrier()
        pltpu.sync_copy(acc_sh.at[pl.ds(s * RPS, RPS)],
                        out_hbm.at[c, pl.ds(s * RPS, RPS)])

    return _sc_gather, _sc_node_gather, _sc_scatter


BLKP = 1000


def _edge_body(ea_ref, xs_ref, w1_ref, b1_ref, w2_ref, b2_ref, r_ref, s_ref,
               tab_ref, root_ref, bias_ref, o_ref, trb_ref):
    f32 = jnp.float32
    i = pl.program_id(0)

    @pl.when(i == 0)
    def _():
        trb_ref[...] = (jnp.dot(tab_ref[...], root_ref[...],
                                preferred_element_type=f32) + bias_ref[...])

    bf16 = jnp.bfloat16
    h = jnp.maximum(
        jnp.dot(ea_ref[...].astype(bf16), w1_ref[...],
                preferred_element_type=f32) + b1_ref[...], 0.0)
    w = jnp.maximum(
        jnp.dot(h.astype(bf16), w2_ref[...], preferred_element_type=f32)
        + b2_ref[...], 0.0).astype(bf16)
    xe = jnp.dot(xs_ref[...].astype(bf16), r_ref[...],
                 preferred_element_type=f32).astype(bf16)
    o_ref[...] = jnp.dot(xe * w, s_ref[...], preferred_element_type=f32)


def _tc_edge(ea, xs, bdW1, b1t, bdW2, b2t, bdR, bdS, tab, root, bias):
    return pl.pallas_call(
        _edge_body,
        grid=(EP8 // BLKP,),
        in_specs=[
            pl.BlockSpec((BLKP, LN), lambda i: (i, 0)),
            pl.BlockSpec((BLKP, LN), lambda i: (i, 0)),
            pl.BlockSpec((LN, 8 * CEH), lambda i: (0, 0)),
            pl.BlockSpec((1, 8 * CEH), lambda i: (0, 0)),
            pl.BlockSpec((8 * CEH, 8 * CW), lambda i: (0, 0)),
            pl.BlockSpec((1, 8 * CW), lambda i: (0, 0)),
            pl.BlockSpec((LN, 8 * CW), lambda i: (0, 0)),
            pl.BlockSpec((8 * CW, LN), lambda i: (0, 0)),
            pl.BlockSpec((NPAD, CI), lambda i: (0, 0)),
            pl.BlockSpec((CI, CI), lambda i: (0, 0)),
            pl.BlockSpec((1, CI), lambda i: (0, 0)),
        ],
        out_specs=[
            pl.BlockSpec((BLKP, LN), lambda i: (i, 0)),
            pl.BlockSpec((NPAD, CI), lambda i: (0, 0)),
        ],
        out_shape=[
            jax.ShapeDtypeStruct((EP8, LN), jnp.float32),
            jax.ShapeDtypeStruct((NPAD, CI), jnp.float32),
        ],
        name="tc_edge",
    )(ea, xs, bdW1, b1t, bdW2, b2t, bdR, bdS, tab, root,
      bias.reshape(1, CI))


def _final_body(aggp_ref, hrb_ref, bi_ref, w1_ref, c1_ref,
                w2_ref, c2_ref, w3_ref, c3_ref, hw_ref, hb_ref, o_ref):
    f32 = jnp.float32
    h2 = aggp_ref[0] + aggp_ref[1] + hrb_ref[...]
    ohT = (bi_ref[...] == lax.broadcasted_iota(jnp.int32, (NG, NPAD), 0)
           ).astype(f32)
    sums = jnp.dot(ohT, h2, preferred_element_type=f32)
    cnts = jnp.dot(ohT, jnp.ones_like(h2), preferred_element_type=f32)
    g = sums / jnp.maximum(cnts, 1.0)
    g = jnp.maximum(jnp.dot(g, w1_ref[...], preferred_element_type=f32)
                    + c1_ref[...], 0.0)
    g = jnp.maximum(jnp.dot(g, w2_ref[...], preferred_element_type=f32)
                    + c2_ref[...], 0.0)
    g = jnp.maximum(jnp.dot(g, w3_ref[...], preferred_element_type=f32)
                    + c3_ref[...], 0.0)
    o_ref[...] = (jnp.dot(g, hw_ref[...], preferred_element_type=f32)
                  + hb_ref[...])


def _tc_final(aggp, hrb, bip, w1, c1, w2, c2, w3, c3, hw, hb):
    return pl.pallas_call(
        _final_body,
        out_shape=jax.ShapeDtypeStruct((NG, 8), jnp.float32),
        name="tc_final",
    )(aggp, hrb, bip,
      w1, c1.reshape(1, CI), w2, c2.reshape(1, CI), w3, c3.reshape(1, CI),
      hw, hb.reshape(1, 8))


def kernel(x, edge_index, edge_attr, batch_idx,
           e1_W1, e1_b1, e1_W2, e1_b2, root1, bias1,
           e2_W1, e2_b1, e2_W2, e2_b2, root2, bias2,
           nn_W1, nn_b1, nn_W2, nn_b2, nn_W3, nn_b3,
           head_W, head_b):
    f32 = jnp.float32
    srcp = edge_index[0].reshape(NT, NCHK, CHK)
    dstp = edge_index[1].reshape(NT, NCHK, CHK)
    xpad = jnp.pad(x, ((0, NPAD - N), (0, 0)))
    bip = jnp.pad(batch_idx, (0, NPAD - N),
                  constant_values=NG).reshape(1, NPAD)
    zN = jnp.zeros((NPAD, CI), f32)
    jj = jnp.arange(CW)
    Rm = (jj[None, :] // CI == jnp.arange(CI)[:, None]).astype(f32)
    Sm = (jj[:, None] % CI == jnp.arange(CI)[None, :]).astype(f32)
    i8 = jnp.eye(8, dtype=f32)
    bf16 = jnp.bfloat16
    bdW1_1 = jnp.kron(i8, e1_W1).astype(bf16)
    bdW2_1 = jnp.kron(i8, e1_W2).astype(bf16)
    bdW1_2 = jnp.kron(i8, e2_W1).astype(bf16)
    bdW2_2 = jnp.kron(i8, e2_W2).astype(bf16)
    bdR = jnp.kron(i8, Rm).astype(bf16)
    bdS = jnp.kron(i8, Sm).astype(bf16)
    b1t_1 = jnp.tile(e1_b1, 8).reshape(1, 8 * CEH)
    b2t_1 = jnp.tile(e1_b2, 8).reshape(1, 8 * CW)
    b1t_2 = jnp.tile(e2_b1, 8).reshape(1, 8 * CEH)
    b2t_2 = jnp.tile(e2_b2, 8).reshape(1, 8 * CW)

    sc_gather, sc_node_gather, sc_scatter = _sc_kernels()
    eaP = edge_attr.reshape(-1).reshape(EP8, LN)
    xs = sc_gather(xpad, srcp)
    msg1, xrb = _tc_edge(eaP, xs.reshape(EP8, LN), bdW1_1, b1t_1, bdW2_1,
                         b2t_1, bdR, bdS, xpad, root1, bias1)
    agg1 = sc_scatter(msg1.reshape(E, CI), dstp, zN)
    h, hs = sc_node_gather(agg1, xrb, srcp)
    msg2, hrb = _tc_edge(eaP, hs.reshape(EP8, LN), bdW1_2, b1t_2, bdW2_2,
                         b2t_2, bdR, bdS, h, root2, bias2)
    agg2 = sc_scatter(msg2.reshape(E, CI), dstp, zN)
    return _tc_final(agg2, hrb, bip,
                     nn_W1, nn_b1, nn_W2, nn_b2, nn_W3, nn_b3,
                     head_W, head_b)

# --- scband reference (transcript-rebuilt; emitter-appended) ---
"""Pipeline reference for scband-graph-gnnmodel-22265110462802 (READ-ONLY COPY).

The authoritative reference and input builder live on the scoring server;
editing this copy changes nothing except your own understanding.
"""

import jax, jax.numpy as jnp
import numpy as np

N = 10000
E = 160000
C_IN = 16
C_HID = 16
C_OUT = 8
C_EIN = 16
C_EHID = 32
N_GRAPHS = 64


def _lin(k, i, o, s=0.1):
    return jax.random.normal(k, (i, o), jnp.float32) * s


def setup_inputs(seed: int = 0) -> dict:
    key = jax.random.key(seed)
    ks = jax.random.split(key, 32)
    inp = {}
    inp["x"] = jax.random.normal(ks[0], (N, C_IN), jnp.float32)
    inp["edge_index"] = jax.random.randint(ks[1], (2, E), 0, N, dtype=jnp.int32)
    inp["edge_attr"] = jax.random.normal(ks[2], (E, C_EIN), jnp.float32)
    inp["batch_idx"] = jnp.sort(jax.random.randint(ks[3], (N,), 0, N_GRAPHS, dtype=jnp.int32))
    inp["e1_W1"] = _lin(ks[4], C_EIN, C_EHID)
    inp["e1_b1"] = jnp.zeros((C_EHID,), jnp.float32)
    inp["e1_W2"] = _lin(ks[5], C_EHID, C_IN * C_HID)
    inp["e1_b2"] = jnp.zeros((C_IN * C_HID,), jnp.float32)
    inp["root1"] = _lin(ks[6], C_IN, C_HID)
    inp["bias1"] = jnp.zeros((C_HID,), jnp.float32)
    inp["e2_W1"] = _lin(ks[7], C_EIN, C_EHID)
    inp["e2_b1"] = jnp.zeros((C_EHID,), jnp.float32)
    inp["e2_W2"] = _lin(ks[8], C_EHID, C_HID * C_HID)
    inp["e2_b2"] = jnp.zeros((C_HID * C_HID,), jnp.float32)
    inp["root2"] = _lin(ks[9], C_HID, C_HID)
    inp["bias2"] = jnp.zeros((C_HID,), jnp.float32)
    inp["nn_W1"] = _lin(ks[10], C_HID, C_HID)
    inp["nn_b1"] = jnp.zeros((C_HID,), jnp.float32)
    inp["nn_W2"] = _lin(ks[11], C_HID, C_HID)
    inp["nn_b2"] = jnp.zeros((C_HID,), jnp.float32)
    inp["nn_W3"] = _lin(ks[12], C_HID, C_HID)
    inp["nn_b3"] = jnp.zeros((C_HID,), jnp.float32)
    inp["head_W"] = _lin(ks[13], C_HID, C_OUT)
    inp["head_b"] = jnp.zeros((C_OUT,), jnp.float32)
    return inp


def reference(x, edge_index, edge_attr, batch_idx,
              e1_W1, e1_b1, e1_W2, e1_b2, root1, bias1,
              e2_W1, e2_b1, e2_W2, e2_b2, root2, bias2,
              nn_W1, nn_b1, nn_W2, nn_b2, nn_W3, nn_b3,
              head_W, head_b):
    src = edge_index[0]
    dst = edge_index[1]
    # NNConv layer 1 (c_in -> c_hidden); edge NN: Linear-ReLU-Linear-ReLU
    h1 = jax.nn.relu(edge_attr @ e1_W1 + e1_b1)
    w1 = jax.nn.relu(h1 @ e1_W2 + e1_b2).reshape(E, C_IN, C_HID)
    msg1 = jnp.einsum('ei,eio->eo', x[src], w1)
    agg1 = jax.ops.segment_sum(msg1, dst, num_segments=N)
    h = agg1 + x @ root1 + bias1
    h = jax.nn.relu(h)  # dropout is identity at inference
    # NNConv layer 2 (c_hidden -> c_hidden)
    h2 = jax.nn.relu(edge_attr @ e2_W1 + e2_b1)
    w2 = jax.nn.relu(h2 @ e2_W2 + e2_b2).reshape(E, C_HID, C_HID)
    msg2 = jnp.einsum('ei,eio->eo', h[src], w2)
    agg2 = jax.ops.segment_sum(msg2, dst, num_segments=N)
    h = agg2 + h @ root2 + bias2
    # global mean pool over batch_idx
    sums = jax.ops.segment_sum(h, batch_idx, num_segments=N_GRAPHS)
    cnts = jax.ops.segment_sum(jnp.ones((N, 1), jnp.float32), batch_idx, num_segments=N_GRAPHS)
    g = sums / jnp.clip(cnts, 1.0)
    # graph-level MLP + head
    g = jax.nn.relu(g @ nn_W1 + nn_b1)
    g = jax.nn.relu(g @ nn_W2 + nn_b2)
    g = jax.nn.relu(g @ nn_W3 + nn_b3)
    return g @ head_W + head_b

if __name__ == "__main__":
    import jax
    _d = setup_inputs()
    print(jax.jit(kernel)(*tuple(_d.values())))

</pallas_src>

<mosaic_0001>
#map = affine_map<(d0, d1) -> (0, 0, 0)>
#map1 = affine_map<(d0, d1) -> (0, 0)>
module attributes {stable_mosaic.version = 14 : i64} {
  func.func @sc_node_gather(%arg0: i32, %arg1: i32, %arg2: memref<2x10016x16xf32, #tpu.memory_space<hbm>>, %arg3: memref<10016x16xf32, #tpu.memory_space<hbm>>, %arg4: memref<32x40x125xi32, #tpu.memory_space<hbm>>, %arg5: memref<10016x16xf32, #tpu.memory_space<hbm>>, %arg6: memref<160000x16xf32, #tpu.memory_space<hbm>>, %arg7: memref<40x125xi32, #tpu.memory_space<vmem>>, %arg8: memref<5000x16xf32, #tpu.memory_space<vmem>>, %arg9: memref<626x16xf32, #tpu.memory_space<vmem>>, %arg10: memref<626x16xf32, #tpu.memory_space<vmem>>, %arg11: memref<626x16xf32, #tpu.memory_space<vmem>>, %arg12: memref<10016x16xf32, #tpu.memory_space<vmem_shared>>) attributes {dimension_semantics = [#tpu.dimension_semantics<core_parallel>, #tpu.dimension_semantics<subcore_parallel>], iteration_bounds = array<i64: 2, 16>, scalar_prefetch = 0 : i64, scratch_operands = 6 : i64, tpu.core_type = #tpu.core_type<sc_vector_subcore>, window_params = [{transform_indices = #map}, {transform_indices = #map1}, {transform_indices = #map}, {transform_indices = #map1}, {transform_indices = #map1}]} {
    %mul3A = arith.constant 2 : i32
    %mul3A_0 = arith.muli %arg1, %mul3A : i32
    %add3A = arith.addi %mul3A_0, %arg0 : i32
    %mul3A_1 = arith.constant 626 : i32
    %mul3A_2 = arith.muli %arg1, %mul3A_1 : i32
    %run_scoped3A = arith.constant 0 : i32
    "tpu.region"() ({
      %run_scoped3A_25 = tpu.sem_alloc : memref<!tpu.dma_semaphore, #tpu.memory_space<semaphore_mem>>
      %dma_start3A = arith.constant 0 : i32
      %dma_start3A_26 = tpu.memref_slice %arg2[%run_scoped3A, %mul3A_2, %dma_start3A] : memref<2x10016x16xf32, #tpu.memory_space<hbm>> -> memref<1x626x16xf32, #tpu.memory_space<hbm>>
      %dma_start3A_27 = tpu.memref_squeeze %dma_start3A_26 : memref<1x626x16xf32, #tpu.memory_space<hbm>> -> memref<626x16xf32, #tpu.memory_space<hbm>>
      %dma_start3A_28 = arith.constant 0 : i32
      %dma_start3A_29 = tpu.memref_slice %arg2[%run_scoped3A, %mul3A_2, %dma_start3A_28] : memref<2x10016x16xf32, #tpu.memory_space<hbm>> -> memref<1x626x16xf32, #tpu.memory_space<hbm>>
      %dma_start3A_30 = tpu.memref_squeeze %dma_start3A_29 : memref<1x626x16xf32, #tpu.memory_space<hbm>> -> memref<626x16xf32, #tpu.memory_space<hbm>>
      tpu.enqueue_dma source(%dma_start3A_30 : memref<626x16xf32, #tpu.memory_space<hbm>>) target(%arg9 : memref<626x16xf32, #tpu.memory_space<vmem>>) target_semaphore(%run_scoped3A_25 : memref<!tpu.dma_semaphore, #tpu.memory_space<semaphore_mem>>)
      %dma_wait3A = arith.constant 0 : i32
      %dma_wait3A_31 = tpu.memref_slice %arg2[%run_scoped3A, %mul3A_2, %dma_wait3A] : memref<2x10016x16xf32, #tpu.memory_space<hbm>> -> memref<1x626x16xf32, #tpu.memory_space<hbm>>
      %dma_wait3A_32 = tpu.memref_squeeze %dma_wait3A_31 : memref<1x626x16xf32, #tpu.memory_space<hbm>> -> memref<626x16xf32, #tpu.memory_space<hbm>>
      %dma_wait3A_33 = arith.constant 0 : i32
      %dma_wait3A_34 = tpu.memref_slice %arg2[%run_scoped3A, %mul3A_2, %dma_wait3A_33] : memref<2x10016x16xf32, #tpu.memory_space<hbm>> -> memref<1x626x16xf32, #tpu.memory_space<hbm>>
      %dma_wait3A_35 = tpu.memref_squeeze %dma_wait3A_34 : memref<1x626x16xf32, #tpu.memory_space<hbm>> -> memref<626x16xf32, #tpu.memory_space<hbm>>
      tpu.wait_dma2 semaphore(%run_scoped3A_25 : memref<!tpu.dma_semaphore, #tpu.memory_space<semaphore_mem>>) src(%dma_wait3A_35 : memref<626x16xf32, #tpu.memory_space<hbm>>) dst(%arg9 : memref<626x16xf32, #tpu.memory_space<vmem>>)
      tpu.yield
    }) : () -> ()
    %mul3A_3 = arith.constant 626 : i32
    %mul3A_4 = arith.muli %arg1, %mul3A_3 : i32
    %run_scoped3A_5 = arith.constant 1 : i32
    "tpu.region"() ({
      %run_scoped3A_25 = tpu.sem_alloc : memref<!tpu.dma_semaphore, #tpu.memory_space<semaphore_mem>>
      %dma_start3A = arith.constant 0 : i32
      %dma_start3A_26 = tpu.memref_slice %arg2[%run_scoped3A_5, %mul3A_4, %dma_start3A] : memref<2x10016x16xf32, #tpu.memory_space<hbm>> -> memref<1x626x16xf32, #tpu.memory_space<hbm>>
      %dma_start3A_27 = tpu.memref_squeeze %dma_start3A_26 : memref<1x626x16xf32, #tpu.memory_space<hbm>> -> memref<626x16xf32, #tpu.memory_space<hbm>>
      %dma_start3A_28 = arith.constant 0 : i32
      %dma_start3A_29 = tpu.memref_slice %arg2[%run_scoped3A_5, %mul3A_4, %dma_start3A_28] : memref<2x10016x16xf32, #tpu.memory_space<hbm>> -> memref<1x626x16xf32, #tpu.memory_space<hbm>>
      %dma_start3A_30 = tpu.memref_squeeze %dma_start3A_29 : memref<1x626x16xf32, #tpu.memory_space<hbm>> -> memref<626x16xf32, #tpu.memory_space<hbm>>
      tpu.enqueue_dma source(%dma_start3A_30 : memref<626x16xf32, #tpu.memory_space<hbm>>) target(%arg10 : memref<626x16xf32, #tpu.memory_space<vmem>>) target_semaphore(%run_scoped3A_25 : memref<!tpu.dma_semaphore, #tpu.memory_space<semaphore_mem>>)
      %dma_wait3A = arith.constant 0 : i32
      %dma_wait3A_31 = tpu.memref_slice %arg2[%run_scoped3A_5, %mul3A_4, %dma_wait3A] : memref<2x10016x16xf32, #tpu.memory_space<hbm>> -> memref<1x626x16xf32, #tpu.memory_space<hbm>>
      %dma_wait3A_32 = tpu.memref_squeeze %dma_wait3A_31 : memref<1x626x16xf32, #tpu.memory_space<hbm>> -> memref<626x16xf32, #tpu.memory_space<hbm>>
      %dma_wait3A_33 = arith.constant 0 : i32
      %dma_wait3A_34 = tpu.memref_slice %arg2[%run_scoped3A_5, %mul3A_4, %dma_wait3A_33] : memref<2x10016x16xf32, #tpu.memory_space<hbm>> -> memref<1x626x16xf32, #tpu.memory_space<hbm>>
      %dma_wait3A_35 = tpu.memref_squeeze %dma_wait3A_34 : memref<1x626x16xf32, #tpu.memory_space<hbm>> -> memref<626x16xf32, #tpu.memory_space<hbm>>
      tpu.wait_dma2 semaphore(%run_scoped3A_25 : memref<!tpu.dma_semaphore, #tpu.memory_space<semaphore_mem>>) src(%dma_wait3A_35 : memref<626x16xf32, #tpu.memory_space<hbm>>) dst(%arg10 : memref<626x16xf32, #tpu.memory_space<vmem>>)
      tpu.yield
    }) : () -> ()
    %mul3A_6 = arith.constant 626 : i32
    %mul3A_7 = arith.muli %arg1, %mul3A_6 : i32
    "tpu.region"() ({
      %run_scoped3A_25 = tpu.sem_alloc : memref<!tpu.dma_semaphore, #tpu.memory_space<semaphore_mem>>
      %dma_start3A = arith.constant 0 : i32
      %dma_start3A_26 = tpu.memref_slice %arg3[%mul3A_7, %dma_start3A] : memref<10016x16xf32, #tpu.memory_space<hbm>> -> memref<626x16xf32, #tpu.memory_space<hbm>>
      %dma_start3A_27 = arith.constant 0 : i32
      %dma_start3A_28 = tpu.memref_slice %arg3[%mul3A_7, %dma_start3A_27] : memref<10016x16xf32, #tpu.memory_space<hbm>> -> memref<626x16xf32, #tpu.memory_space<hbm>>
      tpu.enqueue_dma source(%dma_start3A_28 : memref<626x16xf32, #tpu.memory_space<hbm>>) target(%arg11 : memref<626x16xf32, #tpu.memory_space<vmem>>) target_semaphore(%run_scoped3A_25 : memref<!tpu.dma_semaphore, #tpu.memory_space<semaphore_mem>>)
      %dma_wait3A = arith.constant 0 : i32
      %dma_wait3A_29 = tpu.memref_slice %arg3[%mul3A_7, %dma_wait3A] : memref<10016x16xf32, #tpu.memory_space<hbm>> -> memref<626x16xf32, #tpu.memory_space<hbm>>
      %dma_wait3A_30 = arith.constant 0 : i32
      %dma_wait3A_31 = tpu.memref_slice %arg3[%mul3A_7, %dma_wait3A_30] : memref<10016x16xf32, #tpu.memory_space<hbm>> -> memref<626x16xf32, #tpu.memory_space<hbm>>
      tpu.wait_dma2 semaphore(%run_scoped3A_25 : memref<!tpu.dma_semaphore, #tpu.memory_space<semaphore_mem>>) src(%dma_wait3A_31 : memref<626x16xf32, #tpu.memory_space<hbm>>) dst(%arg11 : memref<626x16xf32, #tpu.memory_space<vmem>>)
      tpu.yield
    }) : () -> ()
    "tpu.region"() ({
      %run_scoped3A_25 = tpu.sem_alloc : memref<!tpu.dma_semaphore, #tpu.memory_space<semaphore_mem>>
      %dma_start3A = arith.constant 0 : i32
      %dma_start3A_26 = arith.constant 0 : i32
      %dma_start3A_27 = tpu.memref_slice %arg4[%add3A, %dma_start3A, %dma_start3A_26] : memref<32x40x125xi32, #tpu.memory_space<hbm>> -> memref<1x40x125xi32, #tpu.memory_space<hbm>>
      %dma_start3A_28 = tpu.memref_squeeze %dma_start3A_27 : memref<1x40x125xi32, #tpu.memory_space<hbm>> -> memref<40x125xi32, #tpu.memory_space<hbm>>
      %dma_start3A_29 = arith.constant 0 : i32
      %dma_start3A_30 = arith.constant 0 : i32
      %dma_start3A_31 = tpu.memref_slice %arg4[%add3A, %dma_start3A_29, %dma_start3A_30] : memref<32x40x125xi32, #tpu.memory_space<hbm>> -> memref<1x40x125xi32, #tpu.memory_space<hbm>>
      %dma_start3A_32 = tpu.memref_squeeze %dma_start3A_31 : memref<1x40x125xi32, #tpu.memory_space<hbm>> -> memref<40x125xi32, #tpu.memory_space<hbm>>
      tpu.enqueue_dma source(%dma_start3A_32 : memref<40x125xi32, #tpu.memory_space<hbm>>) target(%arg7 : memref<40x125xi32, #tpu.memory_space<vmem>>) target_semaphore(%run_scoped3A_25 : memref<!tpu.dma_semaphore, #tpu.memory_space<semaphore_mem>>)
      %dma_wait3A = arith.constant 0 : i32
      %dma_wait3A_33 = arith.constant 0 : i32
      %dma_wait3A_34 = tpu.memref_slice %arg4[%add3A, %dma_wait3A, %dma_wait3A_33] : memref<32x40x125xi32, #tpu.memory_space<hbm>> -> memref<1x40x125xi32, #tpu.memory_space<hbm>>
      %dma_wait3A_35 = tpu.memref_squeeze %dma_wait3A_34 : memref<1x40x125xi32, #tpu.memory_space<hbm>> -> memref<40x125xi32, #tpu.memory_space<hbm>>
      %dma_wait3A_36 = arith.constant 0 : i32
      %dma_wait3A_37 = arith.constant 0 : i32
      %dma_wait3A_38 = tpu.memref_slice %arg4[%add3A, %dma_wait3A_36, %dma_wait3A_37] : memref<32x40x125xi32, #tpu.memory_space<hbm>> -> memref<1x40x125xi32, #tpu.memory_space<hbm>>
      %dma_wait3A_39 = tpu.memref_squeeze %dma_wait3A_38 : memref<1x40x125xi32, #tpu.memory_space<hbm>> -> memref<40x125xi32, #tpu.memory_space<hbm>>
      tpu.wait_dma2 semaphore(%run_scoped3A_25 : memref<!tpu.dma_semaphore, #tpu.memory_space<semaphore_mem>>) src(%dma_wait3A_39 : memref<40x125xi32, #tpu.memory_space<hbm>>) dst(%arg7 : memref<40x125xi32, #tpu.memory_space<vmem>>)
      tpu.yield
    }) : () -> ()
    %scan3A = arith.constant 0 : i32
    %scan3A_8 = arith.constant 0 : i32
    %scan3A_9 = arith.constant 626 : i32
    %scan3A_10 = arith.addi %scan3A_8, %scan3A_9 : i32
    %scan3A_11 = arith.constant 1 : i32
    scf.for %scan3A_25 = %scan3A_8 to %scan3A_10 step %scan3A_11  : i32 {
      %get3A = arith.index_cast %scan3A_25 : i32 to index
      %get3A_26 = arith.constant 0 : index
      %get3A_27 = tpu.vector_load %arg9[%get3A, %get3A_26] {strides = array<i32>} : memref<626x16xf32, #tpu.memory_space<vmem>>, vector<1x16xf32>,
      %get3A_28 = vector.shape_cast %get3A_27 : vector<1x16xf32> to vector<16xf32>
      %get3A_29 = arith.index_cast %scan3A_25 : i32 to index
      %get3A_30 = arith.constant 0 : index
      %get3A_31 = tpu.vector_load %arg10[%get3A_29, %get3A_30] {strides = array<i32>} : memref<626x16xf32, #tpu.memory_space<vmem>>, vector<1x16xf32>,
      %get3A_32 = vector.shape_cast %get3A_31 : vector<1x16xf32> to vector<16xf32>
      %add3A_33 = arith.addf %get3A_28, %get3A_32 : vector<16xf32>
      %get3A_34 = arith.index_cast %scan3A_25 : i32 to index
      %get3A_35 = arith.constant 0 : index
      %get3A_36 = tpu.vector_load %arg11[%get3A_34, %get3A_35] {strides = array<i32>} : memref<626x16xf32, #tpu.memory_space<vmem>>, vector<1x16xf32>,
      %get3A_37 = vector.shape_cast %get3A_36 : vector<1x16xf32> to vector<16xf32>
      %add3A_38 = arith.addf %add3A_33, %get3A_37 : vector<16xf32>
      %max3A = arith.constant 0.000000e+00 : f32
      %max3A_39 = vector.broadcast %max3A : f32 to vector<16xf32>
      %max3A_40 = arith.maximumf %add3A_38, %max3A_39 : vector<16xf32>
      %swap3A = arith.index_cast %scan3A_25 : i32 to index
      %swap3A_41 = arith.constant 0 : index
      %swap3A_42 = tpu.vector_load %arg9[%swap3A, %swap3A_41] {strides = array<i32>} : memref<626x16xf32, #tpu.memory_space<vmem>>, vector<1x16xf32>,
      %swap3A_43 = vector.shape_cast %swap3A_42 : vector<1x16xf32> to vector<16xf32>
      %swap3A_44 = vector.shape_cast %max3A_40 : vector<16xf32> to vector<1x16xf32>
      tpu.vector_store %arg9[%swap3A, %swap3A_41], %swap3A_44 {strides = array<i32>} : memref<626x16xf32, #tpu.memory_space<vmem>>, vector<1x16xf32>,
    }
    %scan3A_12 = arith.constant 626 : i32
    %mul3A_13 = arith.constant 626 : i32
    %mul3A_14 = arith.muli %arg1, %mul3A_13 : i32
    "tpu.region"() ({
      %run_scoped3A_25 = tpu.sem_alloc : memref<!tpu.dma_semaphore, #tpu.memory_space<semaphore_mem>>
      %dma_start3A = arith.constant 0 : i32
      %dma_start3A_26 = tpu.memref_slice %arg12[%mul3A_14, %dma_start3A] : memref<10016x16xf32, #tpu.memory_space<vmem_shared>> -> memref<626x16xf32, #tpu.memory_space<vmem_shared>>
      %dma_start3A_27 = arith.constant 0 : i32
      %dma_start3A_28 = tpu.memref_slice %arg12[%mul3A_14, %dma_start3A_27] : memref<10016x16xf32, #tpu.memory_space<vmem_shared>> -> memref<626x16xf32, #tpu.memory_space<vmem_shared>>
      tpu.enqueue_dma source(%arg9 : memref<626x16xf32, #tpu.memory_space<vmem>>) target(%dma_start3A_28 : memref<626x16xf32, #tpu.memory_space<vmem_shared>>) target_semaphore(%run_scoped3A_25 : memref<!tpu.dma_semaphore, #tpu.memory_space<semaphore_mem>>)
      %dma_wait3A = arith.constant 0 : i32
      %dma_wait3A_29 = tpu.memref_slice %arg12[%mul3A_14, %dma_wait3A] : memref<10016x16xf32, #tpu.memory_space<vmem_shared>> -> memref<626x16xf32, #tpu.memory_space<vmem_shared>>
      %dma_wait3A_30 = arith.constant 0 : i32
      %dma_wait3A_31 = tpu.memref_slice %arg12[%mul3A_14, %dma_wait3A_30] : memref<10016x16xf32, #tpu.memory_space<vmem_shared>> -> memref<626x16xf32, #tpu.memory_space<vmem_shared>>
      tpu.wait_dma2 semaphore(%run_scoped3A_25 : memref<!tpu.dma_semaphore, #tpu.memory_space<semaphore_mem>>) src(%arg9 : memref<626x16xf32, #tpu.memory_space<vmem>>) dst(%dma_wait3A_31 : memref<626x16xf32, #tpu.memory_space<vmem_shared>>)
      tpu.yield
    }) : () -> ()
    %mul3A_15 = arith.constant 626 : i32
    %mul3A_16 = arith.muli %arg1, %mul3A_15 : i32
    "tpu.region"() ({
      %run_scoped3A_25 = tpu.sem_alloc : memref<!tpu.dma_semaphore, #tpu.memory_space<semaphore_mem>>
      %dma_start3A = arith.constant 0 : i32
      %dma_start3A_26 = tpu.memref_slice %arg5[%mul3A_16, %dma_start3A] : memref<10016x16xf32, #tpu.memory_space<hbm>> -> memref<626x16xf32, #tpu.memory_space<hbm>>
      %dma_start3A_27 = arith.constant 0 : i32
      %dma_start3A_28 = tpu.memref_slice %arg5[%mul3A_16, %dma_start3A_27] : memref<10016x16xf32, #tpu.memory_space<hbm>> -> memref<626x16xf32, #tpu.memory_space<hbm>>
      tpu.enqueue_dma source(%arg9 : memref<626x16xf32, #tpu.memory_space<vmem>>) target(%dma_start3A_28 : memref<626x16xf32, #tpu.memory_space<hbm>>) target_semaphore(%run_scoped3A_25 : memref<!tpu.dma_semaphore, #tpu.memory_space<semaphore_mem>>)
      %dma_wait3A = arith.constant 0 : i32
      %dma_wait3A_29 = tpu.memref_slice %arg5[%mul3A_16, %dma_wait3A] : memref<10016x16xf32, #tpu.memory_space<hbm>> -> memref<626x16xf32, #tpu.memory_space<hbm>>
      %dma_wait3A_30 = arith.constant 0 : i32
      %dma_wait3A_31 = tpu.memref_slice %arg5[%mul3A_16, %dma_wait3A_30] : memref<10016x16xf32, #tpu.memory_space<hbm>> -> memref<626x16xf32, #tpu.memory_space<hbm>>
      tpu.wait_dma2 semaphore(%run_scoped3A_25 : memref<!tpu.dma_semaphore, #tpu.memory_space<semaphore_mem>>) src(%arg9 : memref<626x16xf32, #tpu.memory_space<vmem>>) dst(%dma_wait3A_31 : memref<626x16xf32, #tpu.memory_space<hbm>>)
      tpu.yield
    }) : () -> ()
    %barrier3A = arith.constant 0 : index
    tpu.barrier barrier_id(%barrier3A)
    %scan3A_17 = arith.constant 0 : i32
    %scan3A_18 = arith.constant 0 : i32
    %scan3A_19 = arith.constant 40 : i32
    %scan3A_20 = arith.addi %scan3A_18, %scan3A_19 : i32
    %scan3A_21 = arith.constant 1 : i32
    scf.for %scan3A_25 = %scan3A_18 to %scan3A_20 step %scan3A_21  : i32 {
      %mul3A_26 = arith.constant 125 : i32
      %mul3A_27 = arith.muli %scan3A_25, %mul3A_26 : i32
      "tpu.region"() ({
        %run_scoped3A_28 = tpu.sem_alloc : memref<!tpu.dma_semaphore, #tpu.memory_space<semaphore_mem>>
        %dma_start3A = arith.constant 0 : i32
        %dma_start3A_29 = tpu.memref_slice %arg8[%mul3A_27, %dma_start3A] : memref<5000x16xf32, #tpu.memory_space<vmem>> -> memref<125x16xf32, #tpu.memory_space<vmem>>
        %dma_start3A_30 = arith.constant 0 : i32
        %dma_start3A_31 = tpu.memref_slice %arg7[%scan3A_25, %dma_start3A_30] : memref<40x125xi32, #tpu.memory_space<vmem>> -> memref<1x125xi32, #tpu.memory_space<vmem>>
        %dma_start3A_32 = tpu.memref_squeeze %dma_start3A_31 : memref<1x125xi32, #tpu.memory_space<vmem>> -> memref<125xi32, #tpu.memory_space<vmem>>
        %dma_start3A_33 = arith.constant 0 : i32
        %dma_start3A_34 = arith.constant 0 : i32
        %dma_start3A_35 = tpu.memref_slice %arg12[%dma_start3A_33, %dma_start3A_34] : memref<10016x16xf32, #tpu.memory_space<vmem_shared>> -> memref<10016x16xf32, #tpu.memory_space<vmem_shared>>
        tpu.enqueue_indirect_dma source(%dma_start3A_35 : memref<10016x16xf32, #tpu.memory_space<vmem_shared>>) target(%dma_start3A_29 : memref<125x16xf32, #tpu.memory_space<vmem>>) offsets(%dma_start3A_32 : memref<125xi32, #tpu.memory_space<vmem>>) semaphore(%run_scoped3A_28 : memref<!tpu.dma_semaphore, #tpu.memory_space<semaphore_mem>>)
        %dma_wait3A = arith.constant 0 : i32
        %dma_wait3A_36 = tpu.memref_slice %arg8[%mul3A_27, %dma_wait3A] : memref<5000x16xf32, #tpu.memory_space<vmem>> -> memref<125x16xf32, #tpu.memory_space<vmem>>
        %dma_wait3A_37 = arith.constant 0 : i32
        %dma_wait3A_38 = tpu.memref_slice %arg7[%scan3A_25, %dma_wait3A_37] : memref<40x125xi32, #tpu.memory_space<vmem>> -> memref<1x125xi32, #tpu.memory_space<vmem>>
        %dma_wait3A_39 = tpu.memref_squeeze %dma_wait3A_38 : memref<1x125xi32, #tpu.memory_space<vmem>> -> memref<125xi32, #tpu.memory_space<vmem>>
        %dma_wait3A_40 = arith.constant 0 : i32
        %dma_wait3A_41 = arith.constant 0 : i32
        %dma_wait3A_42 = tpu.memref_slice %arg12[%dma_wait3A_40, %dma_wait3A_41] : memref<10016x16xf32, #tpu.memory_space<vmem_shared>> -> memref<10016x16xf32, #tpu.memory_space<vmem_shared>>
        tpu.wait_indirect_dma semaphore(%run_scoped3A_28 : memref<!tpu.dma_semaphore, #tpu.memory_space<semaphore_mem>>) src(%dma_wait3A_42 : memref<10016x16xf32, #tpu.memory_space<vmem_shared>>) dst(%dma_wait3A_36 : memref<125x16xf32, #tpu.memory_space<vmem>>)
        tpu.yield
      }) : () -> ()
    }
    %scan3A_22 = arith.constant 40 : i32
    %mul3A_23 = arith.constant 5000 : i32
    %mul3A_24 = arith.muli %add3A, %mul3A_23 : i32
    "tpu.region"() ({
      %run_scoped3A_25 = tpu.sem_alloc : memref<!tpu.dma_semaphore, #tpu.memory_space<semaphore_mem>>
      %dma_start3A = arith.constant 0 : i32
      %dma_start3A_26 = tpu.memref_slice %arg6[%mul3A_24, %dma_start3A] : memref<160000x16xf32, #tpu.memory_space<hbm>> -> memref<5000x16xf32, #tpu.memory_space<hbm>>
      %dma_start3A_27 = arith.constant 0 : i32
      %dma_start3A_28 = tpu.memref_slice %arg6[%mul3A_24, %dma_start3A_27] : memref<160000x16xf32, #tpu.memory_space<hbm>> -> memref<5000x16xf32, #tpu.memory_space<hbm>>
      tpu.enqueue_dma source(%arg8 : memref<5000x16xf32, #tpu.memory_space<vmem>>) target(%dma_start3A_28 : memref<5000x16xf32, #tpu.memory_space<hbm>>) target_semaphore(%run_scoped3A_25 : memref<!tpu.dma_semaphore, #tpu.memory_space<semaphore_mem>>)
      %dma_wait3A = arith.constant 0 : i32
      %dma_wait3A_29 = tpu.memref_slice %arg6[%mul3A_24, %dma_wait3A] : memref<160000x16xf32, #tpu.memory_space<hbm>> -> memref<5000x16xf32, #tpu.memory_space<hbm>>
      %dma_wait3A_30 = arith.constant 0 : i32
      %dma_wait3A_31 = tpu.memref_slice %arg6[%mul3A_24, %dma_wait3A_30] : memref<160000x16xf32, #tpu.memory_space<hbm>> -> memref<5000x16xf32, #tpu.memory_space<hbm>>
      tpu.wait_dma2 semaphore(%run_scoped3A_25 : memref<!tpu.dma_semaphore, #tpu.memory_space<semaphore_mem>>) src(%arg8 : memref<5000x16xf32, #tpu.memory_space<vmem>>) dst(%dma_wait3A_31 : memref<5000x16xf32, #tpu.memory_space<hbm>>)
      tpu.yield
    }) : () -> ()
    return
  }
}

#map = affine_map<(d0, d1) -> (0, 0)>
#map1 = affine_map<(d0, d1) -> (0, 0, 0)>
module attributes {stable_mosaic.version = 14 : i64} {
  func.func @sc_gather(%arg0: i32, %arg1: i32, %arg2: memref<10016x16xf32, #tpu.memory_space<hbm>>, %arg3: memref<32x40x125xi32, #tpu.memory_space<hbm>>, %arg4: memref<160000x16xf32, #tpu.memory_space<hbm>>, %arg5: memref<40x125xi32, #tpu.memory_space<vmem>>, %arg6: memref<5000x16xf32, #tpu.memory_space<vmem>>, %arg7: memref<10016x16xf32, #tpu.memory_space<vmem_shared>>) attributes {dimension_semantics = [#tpu.dimension_semantics<core_parallel>, #tpu.dimension_semantics<subcore_parallel>], iteration_bounds = array<i64: 2, 16>, scalar_prefetch = 0 : i64, scratch_operands = 3 : i64, tpu.core_type = #tpu.core_type<sc_vector_subcore>, window_params = [{transform_indices = #map}, {transform_indices = #map1}, {transform_indices = #map}]} {
    %mul3A = arith.constant 2 : i32
    %mul3A_0 = arith.muli %arg1, %mul3A : i32
    %add3A = arith.addi %mul3A_0, %arg0 : i32
    %mul3A_1 = arith.constant 626 : i32
    %mul3A_2 = arith.muli %arg1, %mul3A_1 : i32
    %mul3A_3 = arith.constant 626 : i32
    %mul3A_4 = arith.muli %arg1, %mul3A_3 : i32
    "tpu.region"() ({
      %run_scoped3A = tpu.sem_alloc : memref<!tpu.dma_semaphore, #tpu.memory_space<semaphore_mem>>
      %dma_start3A = arith.constant 0 : i32
      %dma_start3A_12 = tpu.memref_slice %arg7[%mul3A_4, %dma_start3A] : memref<10016x16xf32, #tpu.memory_space<vmem_shared>> -> memref<626x16xf32, #tpu.memory_space<vmem_shared>>
      %dma_start3A_13 = arith.constant 0 : i32
      %dma_start3A_14 = tpu.memref_slice %arg2[%mul3A_2, %dma_start3A_13] : memref<10016x16xf32, #tpu.memory_space<hbm>> -> memref<626x16xf32, #tpu.memory_space<hbm>>
      tpu.enqueue_dma source(%dma_start3A_14 : memref<626x16xf32, #tpu.memory_space<hbm>>) target(%dma_start3A_12 : memref<626x16xf32, #tpu.memory_space<vmem_shared>>) target_semaphore(%run_scoped3A : memref<!tpu.dma_semaphore, #tpu.memory_space<semaphore_mem>>)
      %dma_wait3A = arith.constant 0 : i32
      %dma_wait3A_15 = tpu.memref_slice %arg7[%mul3A_4, %dma_wait3A] : memref<10016x16xf32, #tpu.memory_space<vmem_shared>> -> memref<626x16xf32, #tpu.memory_space<vmem_shared>>
      %dma_wait3A_16 = arith.constant 0 : i32
      %dma_wait3A_17 = tpu.memref_slice %arg2[%mul3A_2, %dma_wait3A_16] : memref<10016x16xf32, #tpu.memory_space<hbm>> -> memref<626x16xf32, #tpu.memory_space<hbm>>
      tpu.wait_dma2 semaphore(%run_scoped3A : memref<!tpu.dma_semaphore, #tpu.memory_space<semaphore_mem>>) src(%dma_wait3A_17 : memref<626x16xf32, #tpu.memory_space<hbm>>) dst(%dma_wait3A_15 : memref<626x16xf32, #tpu.memory_space<vmem_shared>>)
      tpu.yield
    }) : () -> ()
    "tpu.region"() ({
      %run_scoped3A = tpu.sem_alloc : memref<!tpu.dma_semaphore, #tpu.memory_space<semaphore_mem>>
      %dma_start3A = arith.constant 0 : i32
      %dma_start3A_12 = arith.constant 0 : i32
      %dma_start3A_13 = tpu.memref_slice %arg3[%add3A, %dma_start3A, %dma_start3A_12] : memref<32x40x125xi32, #tpu.memory_space<hbm>> -> memref<1x40x125xi32, #tpu.memory_space<hbm>>
      %dma_start3A_14 = tpu.memref_squeeze %dma_start3A_13 : memref<1x40x125xi32, #tpu.memory_space<hbm>> -> memref<40x125xi32, #tpu.memory_space<hbm>>
      %dma_start3A_15 = arith.constant 0 : i32
      %dma_start3A_16 = arith.constant 0 : i32
      %dma_start3A_17 = tpu.memref_slice %arg3[%add3A, %dma_start3A_15, %dma_start3A_16] : memref<32x40x125xi32, #tpu.memory_space<hbm>> -> memref<1x40x125xi32, #tpu.memory_space<hbm>>
      %dma_start3A_18 = tpu.memref_squeeze %dma_start3A_17 : memref<1x40x125xi32, #tpu.memory_space<hbm>> -> memref<40x125xi32, #tpu.memory_space<hbm>>
      tpu.enqueue_dma source(%dma_start3A_18 : memref<40x125xi32, #tpu.memory_space<hbm>>) target(%arg5 : memref<40x125xi32, #tpu.memory_space<vmem>>) target_semaphore(%run_scoped3A : memref<!tpu.dma_semaphore, #tpu.memory_space<semaphore_mem>>)
      %dma_wait3A = arith.constant 0 : i32
      %dma_wait3A_19 = arith.constant 0 : i32
      %dma_wait3A_20 = tpu.memref_slice %arg3[%add3A, %dma_wait3A, %dma_wait3A_19] : memref<32x40x125xi32, #tpu.memory_space<hbm>> -> memref<1x40x125xi32, #tpu.memory_space<hbm>>
      %dma_wait3A_21 = tpu.memref_squeeze %dma_wait3A_20 : memref<1x40x125xi32, #tpu.memory_space<hbm>> -> memref<40x125xi32, #tpu.memory_space<hbm>>
      %dma_wait3A_22 = arith.constant 0 : i32
      %dma_wait3A_23 = arith.constant 0 : i32
      %dma_wait3A_24 = tpu.memref_slice %arg3[%add3A, %dma_wait3A_22, %dma_wait3A_23] : memref<32x40x125xi32, #tpu.memory_space<hbm>> -> memref<1x40x125xi32, #tpu.memory_space<hbm>>
      %dma_wait3A_25 = tpu.memref_squeeze %dma_wait3A_24 : memref<1x40x125xi32, #tpu.memory_space<hbm>> -> memref<40x125xi32, #tpu.memory_space<hbm>>
      tpu.wait_dma2 semaphore(%run_scoped3A : memref<!tpu.dma_semaphore, #tpu.memory_space<semaphore_mem>>) src(%dma_wait3A_25 : memref<40x125xi32, #tpu.memory_space<hbm>>) dst(%arg5 : memref<40x125xi32, #tpu.memory_space<vmem>>)
      tpu.yield
    }) : () -> ()
    %barrier3A = arith.constant 0 : index
    tpu.barrier barrier_id(%barrier3A)
    %scan3A = arith.constant 0 : i32
    %scan3A_5 = arith.constant 0 : i32
    %scan3A_6 = arith.constant 40 : i32
    %scan3A_7 = arith.addi %scan3A_5, %scan3A_6 : i32
    %scan3A_8 = arith.constant 1 : i32
    scf.for %scan3A_12 = %scan3A_5 to %scan3A_7 step %scan3A_8  : i32 {
      %mul3A_13 = arith.constant 125 : i32
      %mul3A_14 = arith.muli %scan3A_12, %mul3A_13 : i32
      "tpu.region"() ({
        %run_scoped3A = tpu.sem_alloc : memref<!tpu.dma_semaphore, #tpu.memory_space<semaphore_mem>>
        %dma_start3A = arith.constant 0 : i32
        %dma_start3A_15 = tpu.memref_slice %arg6[%mul3A_14, %dma_start3A] : memref<5000x16xf32, #tpu.memory_space<vmem>> -> memref<125x16xf32, #tpu.memory_space<vmem>>
        %dma_start3A_16 = arith.constant 0 : i32
        %dma_start3A_17 = tpu.memref_slice %arg5[%scan3A_12, %dma_start3A_16] : memref<40x125xi32, #tpu.memory_space<vmem>> -> memref<1x125xi32, #tpu.memory_space<vmem>>
        %dma_start3A_18 = tpu.memref_squeeze %dma_start3A_17 : memref<1x125xi32, #tpu.memory_space<vmem>> -> memref<125xi32, #tpu.memory_space<vmem>>
        %dma_start3A_19 = arith.constant 0 : i32
        %dma_start3A_20 = arith.constant 0 : i32
        %dma_start3A_21 = tpu.memref_slice %arg7[%dma_start3A_19, %dma_start3A_20] : memref<10016x16xf32, #tpu.memory_space<vmem_shared>> -> memref<10016x16xf32, #tpu.memory_space<vmem_shared>>
        tpu.enqueue_indirect_dma source(%dma_start3A_21 : memref<10016x16xf32, #tpu.memory_space<vmem_shared>>) target(%dma_start3A_15 : memref<125x16xf32, #tpu.memory_space<vmem>>) offsets(%dma_start3A_18 : memref<125xi32, #tpu.memory_space<vmem>>) semaphore(%run_scoped3A : memref<!tpu.dma_semaphore, #tpu.memory_space<semaphore_mem>>)
        %dma_wait3A = arith.constant 0 : i32
        %dma_wait3A_22 = tpu.memref_slice %arg6[%mul3A_14, %dma_wait3A] : memref<5000x16xf32, #tpu.memory_space<vmem>> -> memref<125x16xf32, #tpu.memory_space<vmem>>
        %dma_wait3A_23 = arith.constant 0 : i32
        %dma_wait3A_24 = tpu.memref_slice %arg5[%scan3A_12, %dma_wait3A_23] : memref<40x125xi32, #tpu.memory_space<vmem>> -> memref<1x125xi32, #tpu.memory_space<vmem>>
        %dma_wait3A_25 = tpu.memref_squeeze %dma_wait3A_24 : memref<1x125xi32, #tpu.memory_space<vmem>> -> memref<125xi32, #tpu.memory_space<vmem>>
        %dma_wait3A_26 = arith.constant 0 : i32
        %dma_wait3A_27 = arith.constant 0 : i32
        %dma_wait3A_28 = tpu.memref_slice %arg7[%dma_wait3A_26, %dma_wait3A_27] : memref<10016x16xf32, #tpu.memory_space<vmem_shared>> -> memref<10016x16xf32, #tpu.memory_space<vmem_shared>>
        tpu.wait_indirect_dma semaphore(%run_scoped3A : memref<!tpu.dma_semaphore, #tpu.memory_space<semaphore_mem>>) src(%dma_wait3A_28 : memref<10016x16xf32, #tpu.memory_space<vmem_shared>>) dst(%dma_wait3A_22 : memref<125x16xf32, #tpu.memory_space<vmem>>)
        tpu.yield
      }) : () -> ()
    }
    %scan3A_9 = arith.constant 40 : i32
    %mul3A_10 = arith.constant 5000 : i32
    %mul3A_11 = arith.muli %add3A, %mul3A_10 : i32
    "tpu.region"() ({
      %run_scoped3A = tpu.sem_alloc : memref<!tpu.dma_semaphore, #tpu.memory_space<semaphore_mem>>
      %dma_start3A = arith.constant 0 : i32
      %dma_start3A_12 = tpu.memref_slice %arg4[%mul3A_11, %dma_start3A] : memref<160000x16xf32, #tpu.memory_space<hbm>> -> memref<5000x16xf32, #tpu.memory_space<hbm>>
      %dma_start3A_13 = arith.constant 0 : i32
      %dma_start3A_14 = tpu.memref_slice %arg4[%mul3A_11, %dma_start3A_13] : memref<160000x16xf32, #tpu.memory_space<hbm>> -> memref<5000x16xf32, #tpu.memory_space<hbm>>
      tpu.enqueue_dma source(%arg6 : memref<5000x16xf32, #tpu.memory_space<vmem>>) target(%dma_start3A_14 : memref<5000x16xf32, #tpu.memory_space<hbm>>) target_semaphore(%run_scoped3A : memref<!tpu.dma_semaphore, #tpu.memory_space<semaphore_mem>>)
      %dma_wait3A = arith.constant 0 : i32
      %dma_wait3A_15 = tpu.memref_slice %arg4[%mul3A_11, %dma_wait3A] : memref<160000x16xf32, #tpu.memory_space<hbm>> -> memref<5000x16xf32, #tpu.memory_space<hbm>>
      %dma_wait3A_16 = arith.constant 0 : i32
      %dma_wait3A_17 = tpu.memref_slice %arg4[%mul3A_11, %dma_wait3A_16] : memref<160000x16xf32, #tpu.memory_space<hbm>> -> memref<5000x16xf32, #tpu.memory_space<hbm>>
      tpu.wait_dma2 semaphore(%run_scoped3A : memref<!tpu.dma_semaphore, #tpu.memory_space<semaphore_mem>>) src(%arg6 : memref<5000x16xf32, #tpu.memory_space<vmem>>) dst(%dma_wait3A_17 : memref<5000x16xf32, #tpu.memory_space<hbm>>)
      tpu.yield
    }) : () -> ()
    return
  }
}

#map = affine_map<(d0, d1) -> (0, 0)>
#map1 = affine_map<(d0, d1) -> (0, 0, 0)>
module attributes {stable_mosaic.version = 14 : i64} {
  func.func @sc_scatter(%arg0: i32, %arg1: i32, %arg2: memref<160000x16xf32, #tpu.memory_space<hbm>>, %arg3: memref<32x40x125xi32, #tpu.memory_space<hbm>>, %arg4: memref<10016x16xf32, #tpu.memory_space<hbm>>, %arg5: memref<2x10016x16xf32, #tpu.memory_space<hbm>>, %arg6: memref<40x125xi32, #tpu.memory_space<vmem>>, %arg7: memref<5000x16xf32, #tpu.memory_space<vmem>>, %arg8: memref<10016x16xf32, #tpu.memory_space<vmem_shared>>) attributes {dimension_semantics = [#tpu.dimension_semantics<core_parallel>, #tpu.dimension_semantics<subcore_parallel>], iteration_bounds = array<i64: 2, 16>, scalar_prefetch = 0 : i64, scratch_operands = 3 : i64, tpu.core_type = #tpu.core_type<sc_vector_subcore>, window_params = [{transform_indices = #map}, {transform_indices = #map1}, {transform_indices = #map}, {transform_indices = #map1}]} {
    %mul3A = arith.constant 2 : i32
    %mul3A_0 = arith.muli %arg1, %mul3A : i32
    %add3A = arith.addi %mul3A_0, %arg0 : i32
    %mul3A_1 = arith.constant 626 : i32
    %mul3A_2 = arith.muli %arg1, %mul3A_1 : i32
    %mul3A_3 = arith.constant 626 : i32
    %mul3A_4 = arith.muli %arg1, %mul3A_3 : i32
    "tpu.region"() ({
      %run_scoped3A = tpu.sem_alloc : memref<!tpu.dma_semaphore, #tpu.memory_space<semaphore_mem>>
      %dma_start3A = arith.constant 0 : i32
      %dma_start3A_17 = tpu.memref_slice %arg8[%mul3A_4, %dma_start3A] : memref<10016x16xf32, #tpu.memory_space<vmem_shared>> -> memref<626x16xf32, #tpu.memory_space<vmem_shared>>
      %dma_start3A_18 = arith.constant 0 : i32
      %dma_start3A_19 = tpu.memref_slice %arg4[%mul3A_2, %dma_start3A_18] : memref<10016x16xf32, #tpu.memory_space<hbm>> -> memref<626x16xf32, #tpu.memory_space<hbm>>
      tpu.enqueue_dma source(%dma_start3A_19 : memref<626x16xf32, #tpu.memory_space<hbm>>) target(%dma_start3A_17 : memref<626x16xf32, #tpu.memory_space<vmem_shared>>) target_semaphore(%run_scoped3A : memref<!tpu.dma_semaphore, #tpu.memory_space<semaphore_mem>>)
      %dma_wait3A = arith.constant 0 : i32
      %dma_wait3A_20 = tpu.memref_slice %arg8[%mul3A_4, %dma_wait3A] : memref<10016x16xf32, #tpu.memory_space<vmem_shared>> -> memref<626x16xf32, #tpu.memory_space<vmem_shared>>
      %dma_wait3A_21 = arith.constant 0 : i32
      %dma_wait3A_22 = tpu.memref_slice %arg4[%mul3A_2, %dma_wait3A_21] : memref<10016x16xf32, #tpu.memory_space<hbm>> -> memref<626x16xf32, #tpu.memory_space<hbm>>
      tpu.wait_dma2 semaphore(%run_scoped3A : memref<!tpu.dma_semaphore, #tpu.memory_space<semaphore_mem>>) src(%dma_wait3A_22 : memref<626x16xf32, #tpu.memory_space<hbm>>) dst(%dma_wait3A_20 : memref<626x16xf32, #tpu.memory_space<vmem_shared>>)
      tpu.yield
    }) : () -> ()
    "tpu.region"() ({
      %run_scoped3A = tpu.sem_alloc : memref<!tpu.dma_semaphore, #tpu.memory_space<semaphore_mem>>
      %dma_start3A = arith.constant 0 : i32
      %dma_start3A_17 = arith.constant 0 : i32
      %dma_start3A_18 = tpu.memref_slice %arg3[%add3A, %dma_start3A, %dma_start3A_17] : memref<32x40x125xi32, #tpu.memory_space<hbm>> -> memref<1x40x125xi32, #tpu.memory_space<hbm>>
      %dma_start3A_19 = tpu.memref_squeeze %dma_start3A_18 : memref<1x40x125xi32, #tpu.memory_space<hbm>> -> memref<40x125xi32, #tpu.memory_space<hbm>>
      %dma_start3A_20 = arith.constant 0 : i32
      %dma_start3A_21 = arith.constant 0 : i32
      %dma_start3A_22 = tpu.memref_slice %arg3[%add3A, %dma_start3A_20, %dma_start3A_21] : memref<32x40x125xi32, #tpu.memory_space<hbm>> -> memref<1x40x125xi32, #tpu.memory_space<hbm>>
      %dma_start3A_23 = tpu.memref_squeeze %dma_start3A_22 : memref<1x40x125xi32, #tpu.memory_space<hbm>> -> memref<40x125xi32, #tpu.memory_space<hbm>>
      tpu.enqueue_dma source(%dma_start3A_23 : memref<40x125xi32, #tpu.memory_space<hbm>>) target(%arg6 : memref<40x125xi32, #tpu.memory_space<vmem>>) target_semaphore(%run_scoped3A : memref<!tpu.dma_semaphore, #tpu.memory_space<semaphore_mem>>)
      %dma_wait3A = arith.constant 0 : i32
      %dma_wait3A_24 = arith.constant 0 : i32
      %dma_wait3A_25 = tpu.memref_slice %arg3[%add3A, %dma_wait3A, %dma_wait3A_24] : memref<32x40x125xi32, #tpu.memory_space<hbm>> -> memref<1x40x125xi32, #tpu.memory_space<hbm>>
      %dma_wait3A_26 = tpu.memref_squeeze %dma_wait3A_25 : memref<1x40x125xi32, #tpu.memory_space<hbm>> -> memref<40x125xi32, #tpu.memory_space<hbm>>
      %dma_wait3A_27 = arith.constant 0 : i32
      %dma_wait3A_28 = arith.constant 0 : i32
      %dma_wait3A_29 = tpu.memref_slice %arg3[%add3A, %dma_wait3A_27, %dma_wait3A_28] : memref<32x40x125xi32, #tpu.memory_space<hbm>> -> memref<1x40x125xi32, #tpu.memory_space<hbm>>
      %dma_wait3A_30 = tpu.memref_squeeze %dma_wait3A_29 : memref<1x40x125xi32, #tpu.memory_space<hbm>> -> memref<40x125xi32, #tpu.memory_space<hbm>>
      tpu.wait_dma2 semaphore(%run_scoped3A : memref<!tpu.dma_semaphore, #tpu.memory_space<semaphore_mem>>) src(%dma_wait3A_30 : memref<40x125xi32, #tpu.memory_space<hbm>>) dst(%arg6 : memref<40x125xi32, #tpu.memory_space<vmem>>)
      tpu.yield
    }) : () -> ()
    %mul3A_5 = arith.constant 5000 : i32
    %mul3A_6 = arith.muli %add3A, %mul3A_5 : i32
    "tpu.region"() ({
      %run_scoped3A = tpu.sem_alloc : memref<!tpu.dma_semaphore, #tpu.memory_space<semaphore_mem>>
      %dma_start3A = arith.constant 0 : i32
      %dma_start3A_17 = tpu.memref_slice %arg2[%mul3A_6, %dma_start3A] : memref<160000x16xf32, #tpu.memory_space<hbm>> -> memref<5000x16xf32, #tpu.memory_space<hbm>>
      %dma_start3A_18 = arith.constant 0 : i32
      %dma_start3A_19 = tpu.memref_slice %arg2[%mul3A_6, %dma_start3A_18] : memref<160000x16xf32, #tpu.memory_space<hbm>> -> memref<5000x16xf32, #tpu.memory_space<hbm>>
      tpu.enqueue_dma source(%dma_start3A_19 : memref<5000x16xf32, #tpu.memory_space<hbm>>) target(%arg7 : memref<5000x16xf32, #tpu.memory_space<vmem>>) target_semaphore(%run_scoped3A : memref<!tpu.dma_semaphore, #tpu.memory_space<semaphore_mem>>)
      %dma_wait3A = arith.constant 0 : i32
      %dma_wait3A_20 = tpu.memref_slice %arg2[%mul3A_6, %dma_wait3A] : memref<160000x16xf32, #tpu.memory_space<hbm>> -> memref<5000x16xf32, #tpu.memory_space<hbm>>
      %dma_wait3A_21 = arith.constant 0 : i32
      %dma_wait3A_22 = tpu.memref_slice %arg2[%mul3A_6, %dma_wait3A_21] : memref<160000x16xf32, #tpu.memory_space<hbm>> -> memref<5000x16xf32, #tpu.memory_space<hbm>>
      tpu.wait_dma2 semaphore(%run_scoped3A : memref<!tpu.dma_semaphore, #tpu.memory_space<semaphore_mem>>) src(%dma_wait3A_22 : memref<5000x16xf32, #tpu.memory_space<hbm>>) dst(%arg7 : memref<5000x16xf32, #tpu.memory_space<vmem>>)
      tpu.yield
    }) : () -> ()
    %barrier3A = arith.constant 0 : index
    tpu.barrier barrier_id(%barrier3A)
    %scan3A = arith.constant 0 : i32
    %scan3A_7 = arith.constant 0 : i32
    %scan3A_8 = arith.constant 40 : i32
    %scan3A_9 = arith.addi %scan3A_7, %scan3A_8 : i32
    %scan3A_10 = arith.constant 1 : i32
    scf.for %scan3A_17 = %scan3A_7 to %scan3A_9 step %scan3A_10  : i32 {
      %mul3A_18 = arith.constant 125 : i32
      %mul3A_19 = arith.muli %scan3A_17, %mul3A_18 : i32
      "tpu.region"() ({
        %run_scoped3A = tpu.sem_alloc : memref<!tpu.dma_semaphore, #tpu.memory_space<semaphore_mem>>
        %dma_start3A = arith.constant 0 : i32
        %dma_start3A_20 = tpu.memref_slice %arg7[%mul3A_19, %dma_start3A] : memref<5000x16xf32, #tpu.memory_space<vmem>> -> memref<125x16xf32, #tpu.memory_space<vmem>>
        %dma_start3A_21 = arith.constant 0 : i32
        %dma_start3A_22 = tpu.memref_slice %arg6[%scan3A_17, %dma_start3A_21] : memref<40x125xi32, #tpu.memory_space<vmem>> -> memref<1x125xi32, #tpu.memory_space<vmem>>
        %dma_start3A_23 = tpu.memref_squeeze %dma_start3A_22 : memref<1x125xi32, #tpu.memory_space<vmem>> -> memref<125xi32, #tpu.memory_space<vmem>>
        %dma_start3A_24 = arith.constant 0 : i32
        %dma_start3A_25 = arith.constant 0 : i32
        %dma_start3A_26 = tpu.memref_slice %arg8[%dma_start3A_24, %dma_start3A_25] : memref<10016x16xf32, #tpu.memory_space<vmem_shared>> -> memref<10016x16xf32, #tpu.memory_space<vmem_shared>>
        tpu.enqueue_indirect_dma source(%dma_start3A_20 : memref<125x16xf32, #tpu.memory_space<vmem>>) target(%dma_start3A_26 : memref<10016x16xf32, #tpu.memory_space<vmem_shared>>) offsets(%dma_start3A_23 : memref<125xi32, #tpu.memory_space<vmem>>) semaphore(%run_scoped3A : memref<!tpu.dma_semaphore, #tpu.memory_space<semaphore_mem>>) {add = true}
        %dma_wait3A = arith.constant 0 : i32
        %dma_wait3A_27 = tpu.memref_slice %arg7[%mul3A_19, %dma_wait3A] : memref<5000x16xf32, #tpu.memory_space<vmem>> -> memref<125x16xf32, #tpu.memory_space<vmem>>
        %dma_wait3A_28 = arith.constant 0 : i32
        %dma_wait3A_29 = tpu.memref_slice %arg6[%scan3A_17, %dma_wait3A_28] : memref<40x125xi32, #tpu.memory_space<vmem>> -> memref<1x125xi32, #tpu.memory_space<vmem>>
        %dma_wait3A_30 = tpu.memref_squeeze %dma_wait3A_29 : memref<1x125xi32, #tpu.memory_space<vmem>> -> memref<125xi32, #tpu.memory_space<vmem>>
        %dma_wait3A_31 = arith.constant 0 : i32
        %dma_wait3A_32 = arith.constant 0 : i32
        %dma_wait3A_33 = tpu.memref_slice %arg8[%dma_wait3A_31, %dma_wait3A_32] : memref<10016x16xf32, #tpu.memory_space<vmem_shared>> -> memref<10016x16xf32, #tpu.memory_space<vmem_shared>>
        tpu.wait_indirect_dma semaphore(%run_scoped3A : memref<!tpu.dma_semaphore, #tpu.memory_space<semaphore_mem>>) src(%dma_wait3A_27 : memref<125x16xf32, #tpu.memory_space<vmem>>) dst(%dma_wait3A_33 : memref<10016x16xf32, #tpu.memory_space<vmem_shared>>)
        tpu.yield
      }) : () -> ()
    }
    %scan3A_11 = arith.constant 40 : i32
    %barrier3A_12 = arith.constant 0 : index
    tpu.barrier barrier_id(%barrier3A_12)
    %mul3A_13 = arith.constant 626 : i32
    %mul3A_14 = arith.muli %arg1, %mul3A_13 : i32
    %mul3A_15 = arith.constant 626 : i32
    %mul3A_16 = arith.muli %arg1, %mul3A_15 : i32
    "tpu.region"() ({
      %run_scoped3A = tpu.sem_alloc : memref<!tpu.dma_semaphore, #tpu.memory_space<semaphore_mem>>
      %dma_start3A = arith.constant 0 : i32
      %dma_start3A_17 = tpu.memref_slice %arg5[%arg0, %mul3A_16, %dma_start3A] : memref<2x10016x16xf32, #tpu.memory_space<hbm>> -> memref<1x626x16xf32, #tpu.memory_space<hbm>>
      %dma_start3A_18 = tpu.memref_squeeze %dma_start3A_17 : memref<1x626x16xf32, #tpu.memory_space<hbm>> -> memref<626x16xf32, #tpu.memory_space<hbm>>
      %dma_start3A_19 = arith.constant 0 : i32
      %dma_start3A_20 = tpu.memref_slice %arg8[%mul3A_14, %dma_start3A_19] : memref<10016x16xf32, #tpu.memory_space<vmem_shared>> -> memref<626x16xf32, #tpu.memory_space<vmem_shared>>
      tpu.enqueue_dma source(%dma_start3A_20 : memref<626x16xf32, #tpu.memory_space<vmem_shared>>) target(%dma_start3A_18 : memref<626x16xf32, #tpu.memory_space<hbm>>) target_semaphore(%run_scoped3A : memref<!tpu.dma_semaphore, #tpu.memory_space<semaphore_mem>>)
      %dma_wait3A = arith.constant 0 : i32
      %dma_wait3A_21 = tpu.memref_slice %arg5[%arg0, %mul3A_16, %dma_wait3A] : memref<2x10016x16xf32, #tpu.memory_space<hbm>> -> memref<1x626x16xf32, #tpu.memory_space<hbm>>
      %dma_wait3A_22 = tpu.memref_squeeze %dma_wait3A_21 : memref<1x626x16xf32, #tpu.memory_space<hbm>> -> memref<626x16xf32, #tpu.memory_space<hbm>>
      %dma_wait3A_23 = arith.constant 0 : i32
      %dma_wait3A_24 = tpu.memref_slice %arg8[%mul3A_14, %dma_wait3A_23] : memref<10016x16xf32, #tpu.memory_space<vmem_shared>> -> memref<626x16xf32, #tpu.memory_space<vmem_shared>>
      tpu.wait_dma2 semaphore(%run_scoped3A : memref<!tpu.dma_semaphore, #tpu.memory_space<semaphore_mem>>) src(%dma_wait3A_24 : memref<626x16xf32, #tpu.memory_space<vmem_shared>>) dst(%dma_wait3A_22 : memref<626x16xf32, #tpu.memory_space<hbm>>)
      tpu.yield
    }) : () -> ()
    return
  }
}

#map = affine_map<(d0, d1) -> (0, 0)>
#map1 = affine_map<(d0, d1) -> (0, 0, 0)>
module attributes {stable_mosaic.version = 14 : i64} {
  func.func @sc_scatter(%arg0: i32, %arg1: i32, %arg2: memref<160000x16xf32, #tpu.memory_space<hbm>>, %arg3: memref<32x40x125xi32, #tpu.memory_space<hbm>>, %arg4: memref<10016x16xf32, #tpu.memory_space<hbm>>, %arg5: memref<2x10016x16xf32, #tpu.memory_space<hbm>>, %arg6: memref<40x125xi32, #tpu.memory_space<vmem>>, %arg7: memref<5000x16xf32, #tpu.memory_space<vmem>>, %arg8: memref<10016x16xf32, #tpu.memory_space<vmem_shared>>) attributes {dimension_semantics = [#tpu.dimension_semantics<core_parallel>, #tpu.dimension_semantics<subcore_parallel>], iteration_bounds = array<i64: 2, 16>, scalar_prefetch = 0 : i64, scratch_operands = 3 : i64, tpu.core_type = #tpu.core_type<sc_vector_subcore>, window_params = [{transform_indices = #map}, {transform_indices = #map1}, {transform_indices = #map}, {transform_indices = #map1}]} {
    %mul3A = arith.constant 2 : i32
    %mul3A_0 = arith.muli %arg1, %mul3A : i32
    %add3A = arith.addi %mul3A_0, %arg0 : i32
    %mul3A_1 = arith.constant 626 : i32
    %mul3A_2 = arith.muli %arg1, %mul3A_1 : i32
    %mul3A_3 = arith.constant 626 : i32
    %mul3A_4 = arith.muli %arg1, %mul3A_3 : i32
    "tpu.region"() ({
      %run_scoped3A = tpu.sem_alloc : memref<!tpu.dma_semaphore, #tpu.memory_space<semaphore_mem>>
      %dma_start3A = arith.constant 0 : i32
      %dma_start3A_17 = tpu.memref_slice %arg8[%mul3A_4, %dma_start3A] : memref<10016x16xf32, #tpu.memory_space<vmem_shared>> -> memref<626x16xf32, #tpu.memory_space<vmem_shared>>
      %dma_start3A_18 = arith.constant 0 : i32
      %dma_start3A_19 = tpu.memref_slice %arg4[%mul3A_2, %dma_start3A_18] : memref<10016x16xf32, #tpu.memory_space<hbm>> -> memref<626x16xf32, #tpu.memory_space<hbm>>
      tpu.enqueue_dma source(%dma_start3A_19 : memref<626x16xf32, #tpu.memory_space<hbm>>) target(%dma_start3A_17 : memref<626x16xf32, #tpu.memory_space<vmem_shared>>) target_semaphore(%run_scoped3A : memref<!tpu.dma_semaphore, #tpu.memory_space<semaphore_mem>>)
      %dma_wait3A = arith.constant 0 : i32
      %dma_wait3A_20 = tpu.memref_slice %arg8[%mul3A_4, %dma_wait3A] : memref<10016x16xf32, #tpu.memory_space<vmem_shared>> -> memref<626x16xf32, #tpu.memory_space<vmem_shared>>
      %dma_wait3A_21 = arith.constant 0 : i32
      %dma_wait3A_22 = tpu.memref_slice %arg4[%mul3A_2, %dma_wait3A_21] : memref<10016x16xf32, #tpu.memory_space<hbm>> -> memref<626x16xf32, #tpu.memory_space<hbm>>
      tpu.wait_dma2 semaphore(%run_scoped3A : memref<!tpu.dma_semaphore, #tpu.memory_space<semaphore_mem>>) src(%dma_wait3A_22 : memref<626x16xf32, #tpu.memory_space<hbm>>) dst(%dma_wait3A_20 : memref<626x16xf32, #tpu.memory_space<vmem_shared>>)
      tpu.yield
    }) : () -> ()
    "tpu.region"() ({
      %run_scoped3A = tpu.sem_alloc : memref<!tpu.dma_semaphore, #tpu.memory_space<semaphore_mem>>
      %dma_start3A = arith.constant 0 : i32
      %dma_start3A_17 = arith.constant 0 : i32
      %dma_start3A_18 = tpu.memref_slice %arg3[%add3A, %dma_start3A, %dma_start3A_17] : memref<32x40x125xi32, #tpu.memory_space<hbm>> -> memref<1x40x125xi32, #tpu.memory_space<hbm>>
      %dma_start3A_19 = tpu.memref_squeeze %dma_start3A_18 : memref<1x40x125xi32, #tpu.memory_space<hbm>> -> memref<40x125xi32, #tpu.memory_space<hbm>>
      %dma_start3A_20 = arith.constant 0 : i32
      %dma_start3A_21 = arith.constant 0 : i32
      %dma_start3A_22 = tpu.memref_slice %arg3[%add3A, %dma_start3A_20, %dma_start3A_21] : memref<32x40x125xi32, #tpu.memory_space<hbm>> -> memref<1x40x125xi32, #tpu.memory_space<hbm>>
      %dma_start3A_23 = tpu.memref_squeeze %dma_start3A_22 : memref<1x40x125xi32, #tpu.memory_space<hbm>> -> memref<40x125xi32, #tpu.memory_space<hbm>>
      tpu.enqueue_dma source(%dma_start3A_23 : memref<40x125xi32, #tpu.memory_space<hbm>>) target(%arg6 : memref<40x125xi32, #tpu.memory_space<vmem>>) target_semaphore(%run_scoped3A : memref<!tpu.dma_semaphore, #tpu.memory_space<semaphore_mem>>)
      %dma_wait3A = arith.constant 0 : i32
      %dma_wait3A_24 = arith.constant 0 : i32
      %dma_wait3A_25 = tpu.memref_slice %arg3[%add3A, %dma_wait3A, %dma_wait3A_24] : memref<32x40x125xi32, #tpu.memory_space<hbm>> -> memref<1x40x125xi32, #tpu.memory_space<hbm>>
      %dma_wait3A_26 = tpu.memref_squeeze %dma_wait3A_25 : memref<1x40x125xi32, #tpu.memory_space<hbm>> -> memref<40x125xi32, #tpu.memory_space<hbm>>
      %dma_wait3A_27 = arith.constant 0 : i32
      %dma_wait3A_28 = arith.constant 0 : i32
      %dma_wait3A_29 = tpu.memref_slice %arg3[%add3A, %dma_wait3A_27, %dma_wait3A_28] : memref<32x40x125xi32, #tpu.memory_space<hbm>> -> memref<1x40x125xi32, #tpu.memory_space<hbm>>
      %dma_wait3A_30 = tpu.memref_squeeze %dma_wait3A_29 : memref<1x40x125xi32, #tpu.memory_space<hbm>> -> memref<40x125xi32, #tpu.memory_space<hbm>>
      tpu.wait_dma2 semaphore(%run_scoped3A : memref<!tpu.dma_semaphore, #tpu.memory_space<semaphore_mem>>) src(%dma_wait3A_30 : memref<40x125xi32, #tpu.memory_space<hbm>>) dst(%arg6 : memref<40x125xi32, #tpu.memory_space<vmem>>)
      tpu.yield
    }) : () -> ()
    %mul3A_5 = arith.constant 5000 : i32
    %mul3A_6 = arith.muli %add3A, %mul3A_5 : i32
    "tpu.region"() ({
      %run_scoped3A = tpu.sem_alloc : memref<!tpu.dma_semaphore, #tpu.memory_space<semaphore_mem>>
      %dma_start3A = arith.constant 0 : i32
      %dma_start3A_17 = tpu.memref_slice %arg2[%mul3A_6, %dma_start3A] : memref<160000x16xf32, #tpu.memory_space<hbm>> -> memref<5000x16xf32, #tpu.memory_space<hbm>>
      %dma_start3A_18 = arith.constant 0 : i32
      %dma_start3A_19 = tpu.memref_slice %arg2[%mul3A_6, %dma_start3A_18] : memref<160000x16xf32, #tpu.memory_space<hbm>> -> memref<5000x16xf32, #tpu.memory_space<hbm>>
      tpu.enqueue_dma source(%dma_start3A_19 : memref<5000x16xf32, #tpu.memory_space<hbm>>) target(%arg7 : memref<5000x16xf32, #tpu.memory_space<vmem>>) target_semaphore(%run_scoped3A : memref<!tpu.dma_semaphore, #tpu.memory_space<semaphore_mem>>)
      %dma_wait3A = arith.constant 0 : i32
      %dma_wait3A_20 = tpu.memref_slice %arg2[%mul3A_6, %dma_wait3A] : memref<160000x16xf32, #tpu.memory_space<hbm>> -> memref<5000x16xf32, #tpu.memory_space<hbm>>
      %dma_wait3A_21 = arith.constant 0 : i32
      %dma_wait3A_22 = tpu.memref_slice %arg2[%mul3A_6, %dma_wait3A_21] : memref<160000x16xf32, #tpu.memory_space<hbm>> -> memref<5000x16xf32, #tpu.memory_space<hbm>>
      tpu.wait_dma2 semaphore(%run_scoped3A : memref<!tpu.dma_semaphore, #tpu.memory_space<semaphore_mem>>) src(%dma_wait3A_22 : memref<5000x16xf32, #tpu.memory_space<hbm>>) dst(%arg7 : memref<5000x16xf32, #tpu.memory_space<vmem>>)
      tpu.yield
    }) : () -> ()
    %barrier3A = arith.constant 0 : index
    tpu.barrier barrier_id(%barrier3A)
    %scan3A = arith.constant 0 : i32
    %scan3A_7 = arith.constant 0 : i32
    %scan3A_8 = arith.constant 40 : i32
    %scan3A_9 = arith.addi %scan3A_7, %scan3A_8 : i32
    %scan3A_10 = arith.constant 1 : i32
    scf.for %scan3A_17 = %scan3A_7 to %scan3A_9 step %scan3A_10  : i32 {
      %mul3A_18 = arith.constant 125 : i32
      %mul3A_19 = arith.muli %scan3A_17, %mul3A_18 : i32
      "tpu.region"() ({
        %run_scoped3A = tpu.sem_alloc : memref<!tpu.dma_semaphore, #tpu.memory_space<semaphore_mem>>
        %dma_start3A = arith.constant 0 : i32
        %dma_start3A_20 = tpu.memref_slice %arg7[%mul3A_19, %dma_start3A] : memref<5000x16xf32, #tpu.memory_space<vmem>> -> memref<125x16xf32, #tpu.memory_space<vmem>>
        %dma_start3A_21 = arith.constant 0 : i32
        %dma_start3A_22 = tpu.memref_slice %arg6[%scan3A_17, %dma_start3A_21] : memref<40x125xi32, #tpu.memory_space<vmem>> -> memref<1x125xi32, #tpu.memory_space<vmem>>
        %dma_start3A_23 = tpu.memref_squeeze %dma_start3A_22 : memref<1x125xi32, #tpu.memory_space<vmem>> -> memref<125xi32, #tpu.memory_space<vmem>>
        %dma_start3A_24 = arith.constant 0 : i32
        %dma_start3A_25 = arith.constant 0 : i32
        %dma_start3A_26 = tpu.memref_slice %arg8[%dma_start3A_24, %dma_start3A_25] : memref<10016x16xf32, #tpu.memory_space<vmem_shared>> -> memref<10016x16xf32, #tpu.memory_space<vmem_shared>>
        tpu.enqueue_indirect_dma source(%dma_start3A_20 : memref<125x16xf32, #tpu.memory_space<vmem>>) target(%dma_start3A_26 : memref<10016x16xf32, #tpu.memory_space<vmem_shared>>) offsets(%dma_start3A_23 : memref<125xi32, #tpu.memory_space<vmem>>) semaphore(%run_scoped3A : memref<!tpu.dma_semaphore, #tpu.memory_space<semaphore_mem>>) {add = true}
        %dma_wait3A = arith.constant 0 : i32
        %dma_wait3A_27 = tpu.memref_slice %arg7[%mul3A_19, %dma_wait3A] : memref<5000x16xf32, #tpu.memory_space<vmem>> -> memref<125x16xf32, #tpu.memory_space<vmem>>
        %dma_wait3A_28 = arith.constant 0 : i32
        %dma_wait3A_29 = tpu.memref_slice %arg6[%scan3A_17, %dma_wait3A_28] : memref<40x125xi32, #tpu.memory_space<vmem>> -> memref<1x125xi32, #tpu.memory_space<vmem>>
        %dma_wait3A_30 = tpu.memref_squeeze %dma_wait3A_29 : memref<1x125xi32, #tpu.memory_space<vmem>> -> memref<125xi32, #tpu.memory_space<vmem>>
        %dma_wait3A_31 = arith.constant 0 : i32
        %dma_wait3A_32 = arith.constant 0 : i32
        %dma_wait3A_33 = tpu.memref_slice %arg8[%dma_wait3A_31, %dma_wait3A_32] : memref<10016x16xf32, #tpu.memory_space<vmem_shared>> -> memref<10016x16xf32, #tpu.memory_space<vmem_shared>>
        tpu.wait_indirect_dma semaphore(%run_scoped3A : memref<!tpu.dma_semaphore, #tpu.memory_space<semaphore_mem>>) src(%dma_wait3A_27 : memref<125x16xf32, #tpu.memory_space<vmem>>) dst(%dma_wait3A_33 : memref<10016x16xf32, #tpu.memory_space<vmem_shared>>)
        tpu.yield
      }) : () -> ()
    }
    %scan3A_11 = arith.constant 40 : i32
    %barrier3A_12 = arith.constant 0 : index
    tpu.barrier barrier_id(%barrier3A_12)
    %mul3A_13 = arith.constant 626 : i32
    %mul3A_14 = arith.muli %arg1, %mul3A_13 : i32
    %mul3A_15 = arith.constant 626 : i32
    %mul3A_16 = arith.muli %arg1, %mul3A_15 : i32
    "tpu.region"() ({
      %run_scoped3A = tpu.sem_alloc : memref<!tpu.dma_semaphore, #tpu.memory_space<semaphore_mem>>
      %dma_start3A = arith.constant 0 : i32
      %dma_start3A_17 = tpu.memref_slice %arg5[%arg0, %mul3A_16, %dma_start3A] : memref<2x10016x16xf32, #tpu.memory_space<hbm>> -> memref<1x626x16xf32, #tpu.memory_space<hbm>>
      %dma_start3A_18 = tpu.memref_squeeze %dma_start3A_17 : memref<1x626x16xf32, #tpu.memory_space<hbm>> -> memref<626x16xf32, #tpu.memory_space<hbm>>
      %dma_start3A_19 = arith.constant 0 : i32
      %dma_start3A_20 = tpu.memref_slice %arg8[%mul3A_14, %dma_start3A_19] : memref<10016x16xf32, #tpu.memory_space<vmem_shared>> -> memref<626x16xf32, #tpu.memory_space<vmem_shared>>
      tpu.enqueue_dma source(%dma_start3A_20 : memref<626x16xf32, #tpu.memory_space<vmem_shared>>) target(%dma_start3A_18 : memref<626x16xf32, #tpu.memory_space<hbm>>) target_semaphore(%run_scoped3A : memref<!tpu.dma_semaphore, #tpu.memory_space<semaphore_mem>>)
      %dma_wait3A = arith.constant 0 : i32
      %dma_wait3A_21 = tpu.memref_slice %arg5[%arg0, %mul3A_16, %dma_wait3A] : memref<2x10016x16xf32, #tpu.memory_space<hbm>> -> memref<1x626x16xf32, #tpu.memory_space<hbm>>
      %dma_wait3A_22 = tpu.memref_squeeze %dma_wait3A_21 : memref<1x626x16xf32, #tpu.memory_space<hbm>> -> memref<626x16xf32, #tpu.memory_space<hbm>>
      %dma_wait3A_23 = arith.constant 0 : i32
      %dma_wait3A_24 = tpu.memref_slice %arg8[%mul3A_14, %dma_wait3A_23] : memref<10016x16xf32, #tpu.memory_space<vmem_shared>> -> memref<626x16xf32, #tpu.memory_space<vmem_shared>>
      tpu.wait_dma2 semaphore(%run_scoped3A : memref<!tpu.dma_semaphore, #tpu.memory_space<semaphore_mem>>) src(%dma_wait3A_24 : memref<626x16xf32, #tpu.memory_space<vmem_shared>>) dst(%dma_wait3A_22 : memref<626x16xf32, #tpu.memory_space<hbm>>)
      tpu.yield
    }) : () -> ()
    return
  }
}

module attributes {stable_mosaic.version = 14 : i64} {
  func.func @tc_edge(%arg0: i32, %arg1: memref<1000x128xf32, #tpu.memory_space<vmem>>, %arg2: memref<1000x128xf32, #tpu.memory_space<vmem>>, %arg3: memref<128x256xbf16, #tpu.memory_space<vmem>>, %arg4: memref<1x256xf32, #tpu.memory_space<vmem>>, %arg5: memref<256x2048xbf16, #tpu.memory_space<vmem>>, %arg6: memref<1x2048xf32, #tpu.memory_space<vmem>>, %arg7: memref<128x2048xbf16, #tpu.memory_space<vmem>>, %arg8: memref<2048x128xbf16, #tpu.memory_space<vmem>>, %arg9: memref<10016x16xf32, #tpu.memory_space<vmem>>, %arg10: memref<16x16xf32, #tpu.memory_space<vmem>>, %arg11: memref<1x16xf32, #tpu.memory_space<vmem>>, %arg12: memref<1000x128xf32, #tpu.memory_space<vmem>>, %arg13: memref<10016x16xf32, #tpu.memory_space<vmem>>) attributes {dimension_semantics = [#tpu.dimension_semantics<arbitrary>], iteration_bounds = array<i64: 20>, scalar_prefetch = 0 : i64, scratch_operands = 0 : i64, tpu.core_type = #tpu.core_type<tc>, window_params = [{transform_indices = @transform_0, window_bounds = array<i64: 1000, 128>}, {transform_indices = @transform_1, window_bounds = array<i64: 1000, 128>}, {pipeline_mode = #tpu.pipeline_mode<synchronous>, transform_indices = @transform_2, window_bounds = array<i64: 128, 256>}, {pipeline_mode = #tpu.pipeline_mode<synchronous>, transform_indices = @transform_3, window_bounds = array<i64: 1, 256>}, {pipeline_mode = #tpu.pipeline_mode<synchronous>, transform_indices = @transform_4, window_bounds = array<i64: 256, 2048>}, {pipeline_mode = #tpu.pipeline_mode<synchronous>, transform_indices = @transform_5, window_bounds = array<i64: 1, 2048>}, {pipeline_mode = #tpu.pipeline_mode<synchronous>, transform_indices = @transform_6, window_bounds = array<i64: 128, 2048>}, {pipeline_mode = #tpu.pipeline_mode<synchronous>, transform_indices = @transform_7, window_bounds = array<i64: 2048, 128>}, {pipeline_mode = #tpu.pipeline_mode<synchronous>, transform_indices = @transform_8, window_bounds = array<i64: 10016, 16>}, {pipeline_mode = #tpu.pipeline_mode<synchronous>, transform_indices = @transform_9, window_bounds = array<i64: 16, 16>}, {pipeline_mode = #tpu.pipeline_mode<synchronous>, transform_indices = @transform_10, window_bounds = array<i64: 1, 16>}, {transform_indices = @transform_11, window_bounds = array<i64: 1000, 128>}, {pipeline_mode = #tpu.pipeline_mode<synchronous>, transform_indices = @transform_12, window_bounds = array<i64: 10016, 16>}]} {
    %eq3A = arith.constant 0 : i32
    %eq3A_0 = arith.cmpi eq, %arg0, %eq3A : i32
    %convert_element_type3A = arith.extui %eq3A_0 : i1 to i32
    %cond3A = arith.constant 0 : i32
    %cond3A_1 = arith.cmpi ne, %convert_element_type3A, %cond3A : i32
    scf.if %cond3A_1 {
      %get3A_47 = arith.constant 0 : index
      %get3A_48 = arith.constant 0 : index
      %get3A_49 = vector.load %arg9[%get3A_47, %get3A_48] : memref<10016x16xf32, #tpu.memory_space<vmem>>, vector<10016x16xf32>
      %get3A_50 = arith.constant 0 : index
      %get3A_51 = arith.constant 0 : index
      %get3A_52 = vector.load %arg10[%get3A_50, %get3A_51] : memref<16x16xf32, #tpu.memory_space<vmem>>, vector<16x16xf32>
      %dot_general3A_53 = arith.constant dense<0.000000e+00> : vector<10016x16xf32>
      %dot_general3A_54 = tpu.matmul %get3A_49, %get3A_52, %dot_general3A_53 {dimension_numbers = #tpu.dot_dimension_numbers<[1], [0], [0], [1], [0, 0, 1, 1], [], []>, transpose_lhs_hint = false} : vector<10016x16xf32>, vector<16x16xf32>, vector<10016x16xf32> -> vector<10016x16xf32>
      %get3A_55 = arith.constant 0 : index
      %get3A_56 = arith.constant 0 : index
      %get3A_57 = vector.load %arg11[%get3A_55, %get3A_56] : memref<1x16xf32, #tpu.memory_space<vmem>>, vector<1x16xf32>
      %add3A_58 = vector.broadcast %get3A_57 : vector<1x16xf32> to vector<10016x16xf32>
      %add3A_59 = arith.addf %dot_general3A_54, %add3A_58 : vector<10016x16xf32>
      %swap3A_60 = arith.constant 0 : index
      %swap3A_61 = arith.constant 0 : index
      %swap3A_62 = vector.load %arg13[%swap3A_60, %swap3A_61] : memref<10016x16xf32, #tpu.memory_space<vmem>>, vector<10016x16xf32>
      tpu.vector_store %arg13[%swap3A_60, %swap3A_61], %add3A_59 {strides = array<i32>} : memref<10016x16xf32, #tpu.memory_space<vmem>>, vector<10016x16xf32>,
    } else {
    }
    %get3A = arith.constant 0 : index
    %get3A_2 = arith.constant 0 : index
    %get3A_3 = vector.load %arg1[%get3A, %get3A_2] : memref<1000x128xf32, #tpu.memory_space<vmem>>, vector<1000x128xf32>
    %convert_element_type3A_4 = arith.truncf %get3A_3 : vector<1000x128xf32> to vector<1000x128xbf16>
    %get3A_5 = arith.constant 0 : index
    %get3A_6 = arith.constant 0 : index
    %get3A_7 = vector.load %arg3[%get3A_5, %get3A_6] : memref<128x256xbf16, #tpu.memory_space<vmem>>, vector<128x256xbf16>
    %dot_general3A = arith.constant dense<0.000000e+00> : vector<1000x256xf32>
    %dot_general3A_8 = tpu.matmul %convert_element_type3A_4, %get3A_7, %dot_general3A {dimension_numbers = #tpu.dot_dimension_numbers<[1], [0], [0], [1], [0, 0, 1, 1], [], []>, transpose_lhs_hint = false} : vector<1000x128xbf16>, vector<128x256xbf16>, vector<1000x256xf32> -> vector<1000x256xf32>
    %get3A_9 = arith.constant 0 : index
    %get3A_10 = arith.constant 0 : index
    %get3A_11 = vector.load %arg4[%get3A_9, %get3A_10] : memref<1x256xf32, #tpu.memory_space<vmem>>, vector<1x256xf32>
    %add3A = vector.broadcast %get3A_11 : vector<1x256xf32> to vector<1000x256xf32>
    %add3A_12 = arith.addf %dot_general3A_8, %add3A : vector<1000x256xf32>
    %max3A = arith.constant 0.000000e+00 : f32
    %max3A_13 = vector.broadcast %max3A : f32 to vector<1000x256xf32>
    %max3A_14 = arith.maximumf %add3A_12, %max3A_13 : vector<1000x256xf32>
    %convert_element_type3A_15 = arith.truncf %max3A_14 : vector<1000x256xf32> to vector<1000x256xbf16>
    %get3A_16 = arith.constant 0 : index
    %get3A_17 = arith.constant 0 : index
    %get3A_18 = vector.load %arg5[%get3A_16, %get3A_17] : memref<256x2048xbf16, #tpu.memory_space<vmem>>, vector<256x2048xbf16>
    %dot_general3A_19 = arith.constant dense<0.000000e+00> : vector<1000x2048xf32>
    %dot_general3A_20 = tpu.matmul %convert_element_type3A_15, %get3A_18, %dot_general3A_19 {dimension_numbers = #tpu.dot_dimension_numbers<[1], [0], [0], [1], [0, 0, 1, 1], [], []>, transpose_lhs_hint = false} : vector<1000x256xbf16>, vector<256x2048xbf16>, vector<1000x2048xf32> -> vector<1000x2048xf32>
    %get3A_21 = arith.constant 0 : index
    %get3A_22 = arith.constant 0 : index
    %get3A_23 = vector.load %arg6[%get3A_21, %get3A_22] : memref<1x2048xf32, #tpu.memory_space<vmem>>, vector<1x2048xf32>
    %add3A_24 = vector.broadcast %get3A_23 : vector<1x2048xf32> to vector<1000x2048xf32>
    %add3A_25 = arith.addf %dot_general3A_20, %add3A_24 : vector<1000x2048xf32>
    %max3A_26 = arith.constant 0.000000e+00 : f32
    %max3A_27 = vector.broadcast %max3A_26 : f32 to vector<1000x2048xf32>
    %max3A_28 = arith.maximumf %add3A_25, %max3A_27 : vector<1000x2048xf32>
    %convert_element_type3A_29 = arith.truncf %max3A_28 : vector<1000x2048xf32> to vector<1000x2048xbf16>
    %get3A_30 = arith.constant 0 : index
    %get3A_31 = arith.constant 0 : index
    %get3A_32 = vector.load %arg2[%get3A_30, %get3A_31] : memref<1000x128xf32, #tpu.memory_space<vmem>>, vector<1000x128xf32>
    %convert_element_type3A_33 = arith.truncf %get3A_32 : vector<1000x128xf32> to vector<1000x128xbf16>
    %get3A_34 = arith.constant 0 : index
    %get3A_35 = arith.constant 0 : index
    %get3A_36 = vector.load %arg7[%get3A_34, %get3A_35] : memref<128x2048xbf16, #tpu.memory_space<vmem>>, vector<128x2048xbf16>
    %dot_general3A_37 = arith.constant dense<0.000000e+00> : vector<1000x2048xf32>
    %dot_general3A_38 = tpu.matmul %convert_element_type3A_33, %get3A_36, %dot_general3A_37 {dimension_numbers = #tpu.dot_dimension_numbers<[1], [0], [0], [1], [0, 0, 1, 1], [], []>, transpose_lhs_hint = false} : vector<1000x128xbf16>, vector<128x2048xbf16>, vector<1000x2048xf32> -> vector<1000x2048xf32>
    %convert_element_type3A_39 = arith.truncf %dot_general3A_38 : vector<1000x2048xf32> to vector<1000x2048xbf16>
    %mul3A = arith.mulf %convert_element_type3A_39, %convert_element_type3A_29 : vector<1000x2048xbf16>
    %get3A_40 = arith.constant 0 : index
    %get3A_41 = arith.constant 0 : index
    %get3A_42 = vector.load %arg8[%get3A_40, %get3A_41] : memref<2048x128xbf16, #tpu.memory_space<vmem>>, vector<2048x128xbf16>
    %dot_general3A_43 = arith.constant dense<0.000000e+00> : vector<1000x128xf32>
    %dot_general3A_44 = tpu.matmul %mul3A, %get3A_42, %dot_general3A_43 {dimension_numbers = #tpu.dot_dimension_numbers<[1], [0], [0], [1], [0, 0, 1, 1], [], []>, transpose_lhs_hint = false} : vector<1000x2048xbf16>, vector<2048x128xbf16>, vector<1000x128xf32> -> vector<1000x128xf32>
    %swap3A = arith.constant 0 : index
    %swap3A_45 = arith.constant 0 : index
    %swap3A_46 = vector.load %arg12[%swap3A, %swap3A_45] : memref<1000x128xf32, #tpu.memory_space<vmem>>, vector<1000x128xf32>
    tpu.vector_store %arg12[%swap3A, %swap3A_45], %dot_general3A_44 {strides = array<i32>} : memref<1000x128xf32, #tpu.memory_space<vmem>>, vector<1000x128xf32>,
    return
  }
  func.func @transform_0(%arg0: i32) -> (i32, i32) {
    %c0_i32 = arith.constant 0 : i32
    %c0_i32_0 = arith.constant 0 : i32
    return %arg0, %c0_i32 : i32, i32
  }
  func.func @transform_1(%arg0: i32) -> (i32, i32) {
    %c0_i32 = arith.constant 0 : i32
    %c0_i32_0 = arith.constant 0 : i32
    return %arg0, %c0_i32 : i32, i32
  }
  func.func @transform_2(%arg0: i32) -> (i32, i32) {
    %c0_i32 = arith.constant 0 : i32
    %c0_i32_0 = arith.constant 0 : i32
    %c0_i32_1 = arith.constant 0 : i32
    return %c0_i32, %c0_i32_0 : i32, i32
  }
  func.func @transform_3(%arg0: i32) -> (i32, i32) {
    %c0_i32 = arith.constant 0 : i32
    %c0_i32_0 = arith.constant 0 : i32
    %c0_i32_1 = arith.constant 0 : i32
    return %c0_i32, %c0_i32_0 : i32, i32
  }
  func.func @transform_4(%arg0: i32) -> (i32, i32) {
    %c0_i32 = arith.constant 0 : i32
    %c0_i32_0 = arith.constant 0 : i32
    %c0_i32_1 = arith.constant 0 : i32
    return %c0_i32, %c0_i32_0 : i32, i32
  }
  func.func @transform_5(%arg0: i32) -> (i32, i32) {
    %c0_i32 = arith.constant 0 : i32
    %c0_i32_0 = arith.constant 0 : i32
    %c0_i32_1 = arith.constant 0 : i32
    return %c0_i32, %c0_i32_0 : i32, i32
  }
  func.func @transform_6(%arg0: i32) -> (i32, i32) {
    %c0_i32 = arith.constant 0 : i32
    %c0_i32_0 = arith.constant 0 : i32
    %c0_i32_1 = arith.constant 0 : i32
    return %c0_i32, %c0_i32_0 : i32, i32
  }
  func.func @transform_7(%arg0: i32) -> (i32, i32) {
    %c0_i32 = arith.constant 0 : i32
    %c0_i32_0 = arith.constant 0 : i32
    %c0_i32_1 = arith.constant 0 : i32
    return %c0_i32, %c0_i32_0 : i32, i32
  }
  func.func @transform_8(%arg0: i32) -> (i32, i32) {
    %c0_i32 = arith.constant 0 : i32
    %c0_i32_0 = arith.constant 0 : i32
    %c0_i32_1 = arith.constant 0 : i32
    return %c0_i32, %c0_i32_0 : i32, i32
  }
  func.func @transform_9(%arg0: i32) -> (i32, i32) {
    %c0_i32 = arith.constant 0 : i32
    %c0_i32_0 = arith.constant 0 : i32
    %c0_i32_1 = arith.constant 0 : i32
    return %c0_i32, %c0_i32_0 : i32, i32
  }
  func.func @transform_10(%arg0: i32) -> (i32, i32) {
    %c0_i32 = arith.constant 0 : i32
    %c0_i32_0 = arith.constant 0 : i32
    %c0_i32_1 = arith.constant 0 : i32
    return %c0_i32, %c0_i32_0 : i32, i32
  }
  func.func @transform_11(%arg0: i32) -> (i32, i32) {
    %c0_i32 = arith.constant 0 : i32
    %c0_i32_0 = arith.constant 0 : i32
    return %arg0, %c0_i32 : i32, i32
  }
  func.func @transform_12(%arg0: i32) -> (i32, i32) {
    %c0_i32 = arith.constant 0 : i32
    %c0_i32_0 = arith.constant 0 : i32
    %c0_i32_1 = arith.constant 0 : i32
    return %c0_i32, %c0_i32_0 : i32, i32
  }
}

module attributes {stable_mosaic.version = 14 : i64} {
  func.func @tc_final(%arg0: memref<2x10016x16xf32, #tpu.memory_space<vmem>>, %arg1: memref<10016x16xf32, #tpu.memory_space<vmem>>, %arg2: memref<1x10016xi32, #tpu.memory_space<vmem>>, %arg3: memref<16x16xf32, #tpu.memory_space<vmem>>, %arg4: memref<1x16xf32, #tpu.memory_space<vmem>>, %arg5: memref<16x16xf32, #tpu.memory_space<vmem>>, %arg6: memref<1x16xf32, #tpu.memory_space<vmem>>, %arg7: memref<16x16xf32, #tpu.memory_space<vmem>>, %arg8: memref<1x16xf32, #tpu.memory_space<vmem>>, %arg9: memref<16x8xf32, #tpu.memory_space<vmem>>, %arg10: memref<1x8xf32, #tpu.memory_space<vmem>>, %arg11: memref<64x8xf32, #tpu.memory_space<vmem>>) attributes {dimension_semantics = [], scalar_prefetch = 0 : i64, scratch_operands = 0 : i64, tpu.core_type = #tpu.core_type<tc>} {
    %get3A = arith.constant 0 : index
    %get3A_0 = arith.constant 0 : index
    %get3A_1 = arith.constant 0 : index
    %get3A_2 = vector.load %arg0[%get3A, %get3A_0, %get3A_1] : memref<2x10016x16xf32, #tpu.memory_space<vmem>>, vector<1x10016x16xf32>
    %get3A_3 = vector.shape_cast %get3A_2 : vector<1x10016x16xf32> to vector<10016x16xf32>
    %get3A_4 = arith.constant 1 : index
    %get3A_5 = arith.constant 0 : index
    %get3A_6 = arith.constant 0 : index
    %get3A_7 = vector.load %arg0[%get3A_4, %get3A_5, %get3A_6] : memref<2x10016x16xf32, #tpu.memory_space<vmem>>, vector<1x10016x16xf32>
    %get3A_8 = vector.shape_cast %get3A_7 : vector<1x10016x16xf32> to vector<10016x16xf32>
    %add3A = arith.addf %get3A_3, %get3A_8 : vector<10016x16xf32>
    %get3A_9 = arith.constant 0 : index
    %get3A_10 = arith.constant 0 : index
    %get3A_11 = vector.load %arg1[%get3A_9, %get3A_10] : memref<10016x16xf32, #tpu.memory_space<vmem>>, vector<10016x16xf32>
    %add3A_12 = arith.addf %add3A, %get3A_11 : vector<10016x16xf32>
    %get3A_13 = arith.constant 0 : index
    %get3A_14 = arith.constant 0 : index
    %get3A_15 = vector.load %arg2[%get3A_13, %get3A_14] : memref<1x10016xi32, #tpu.memory_space<vmem>>, vector<1x10016xi32>
    %iota3A = tpu.iota {dimensions = array<i32: 0>} : vector<64x10016xi32>
    %eq3A = vector.broadcast %get3A_15 : vector<1x10016xi32> to vector<64x10016xi32>
    %eq3A_16 = arith.cmpi eq, %eq3A, %iota3A : vector<64x10016xi32>
    %convert_element_type3A = arith.extui %eq3A_16 : vector<64x10016xi1> to vector<64x10016xi32>
    %convert_element_type3A_17 = arith.sitofp %convert_element_type3A : vector<64x10016xi32> to vector<64x10016xf32>
    %dot_general3A = arith.constant dense<0.000000e+00> : vector<64x16xf32>
    %dot_general3A_18 = tpu.matmul %convert_element_type3A_17, %add3A_12, %dot_general3A {dimension_numbers = #tpu.dot_dimension_numbers<[1], [0], [0], [1], [0, 0, 1, 1], [], []>, transpose_lhs_hint = false} : vector<64x10016xf32>, vector<10016x16xf32>, vector<64x16xf32> -> vector<64x16xf32>
    %broadcast_in_dim3A = arith.constant 1.000000e+00 : f32
    %broadcast_in_dim3A_19 = vector.broadcast %broadcast_in_dim3A : f32 to vector<10016x16xf32>
    %dot_general3A_20 = arith.constant dense<0.000000e+00> : vector<64x16xf32>
    %dot_general3A_21 = tpu.matmul %convert_element_type3A_17, %broadcast_in_dim3A_19, %dot_general3A_20 {dimension_numbers = #tpu.dot_dimension_numbers<[1], [0], [0], [1], [0, 0, 1, 1], [], []>, transpose_lhs_hint = false} : vector<64x10016xf32>, vector<10016x16xf32>, vector<64x16xf32> -> vector<64x16xf32>
    %max3A = arith.constant 1.000000e+00 : f32
    %max3A_22 = vector.broadcast %max3A : f32 to vector<64x16xf32>
    %max3A_23 = arith.maximumf %dot_general3A_21, %max3A_22 : vector<64x16xf32>
    %div3A = arith.divf %dot_general3A_18, %max3A_23 : vector<64x16xf32>
    %get3A_24 = arith.constant 0 : index
    %get3A_25 = arith.constant 0 : index
    %get3A_26 = vector.load %arg3[%get3A_24, %get3A_25] : memref<16x16xf32, #tpu.memory_space<vmem>>, vector<16x16xf32>
    %dot_general3A_27 = arith.constant dense<0.000000e+00> : vector<64x16xf32>
    %dot_general3A_28 = tpu.matmul %div3A, %get3A_26, %dot_general3A_27 {dimension_numbers = #tpu.dot_dimension_numbers<[1], [0], [0], [1], [0, 0, 1, 1], [], []>, transpose_lhs_hint = false} : vector<64x16xf32>, vector<16x16xf32>, vector<64x16xf32> -> vector<64x16xf32>
    %get3A_29 = arith.constant 0 : index
    %get3A_30 = arith.constant 0 : index
    %get3A_31 = vector.load %arg4[%get3A_29, %get3A_30] : memref<1x16xf32, #tpu.memory_space<vmem>>, vector<1x16xf32>
    %add3A_32 = vector.broadcast %get3A_31 : vector<1x16xf32> to vector<64x16xf32>
    %add3A_33 = arith.addf %dot_general3A_28, %add3A_32 : vector<64x16xf32>
    %max3A_34 = arith.constant 0.000000e+00 : f32
    %max3A_35 = vector.broadcast %max3A_34 : f32 to vector<64x16xf32>
    %max3A_36 = arith.maximumf %add3A_33, %max3A_35 : vector<64x16xf32>
    %get3A_37 = arith.constant 0 : index
    %get3A_38 = arith.constant 0 : index
    %get3A_39 = vector.load %arg5[%get3A_37, %get3A_38] : memref<16x16xf32, #tpu.memory_space<vmem>>, vector<16x16xf32>
    %dot_general3A_40 = arith.constant dense<0.000000e+00> : vector<64x16xf32>
    %dot_general3A_41 = tpu.matmul %max3A_36, %get3A_39, %dot_general3A_40 {dimension_numbers = #tpu.dot_dimension_numbers<[1], [0], [0], [1], [0, 0, 1, 1], [], []>, transpose_lhs_hint = false} : vector<64x16xf32>, vector<16x16xf32>, vector<64x16xf32> -> vector<64x16xf32>
    %get3A_42 = arith.constant 0 : index
    %get3A_43 = arith.constant 0 : index
    %get3A_44 = vector.load %arg6[%get3A_42, %get3A_43] : memref<1x16xf32, #tpu.memory_space<vmem>>, vector<1x16xf32>
    %add3A_45 = vector.broadcast %get3A_44 : vector<1x16xf32> to vector<64x16xf32>
    %add3A_46 = arith.addf %dot_general3A_41, %add3A_45 : vector<64x16xf32>
    %max3A_47 = arith.constant 0.000000e+00 : f32
    %max3A_48 = vector.broadcast %max3A_47 : f32 to vector<64x16xf32>
    %max3A_49 = arith.maximumf %add3A_46, %max3A_48 : vector<64x16xf32>
    %get3A_50 = arith.constant 0 : index
    %get3A_51 = arith.constant 0 : index
    %get3A_52 = vector.load %arg7[%get3A_50, %get3A_51] : memref<16x16xf32, #tpu.memory_space<vmem>>, vector<16x16xf32>
    %dot_general3A_53 = arith.constant dense<0.000000e+00> : vector<64x16xf32>
    %dot_general3A_54 = tpu.matmul %max3A_49, %get3A_52, %dot_general3A_53 {dimension_numbers = #tpu.dot_dimension_numbers<[1], [0], [0], [1], [0, 0, 1, 1], [], []>, transpose_lhs_hint = false} : vector<64x16xf32>, vector<16x16xf32>, vector<64x16xf32> -> vector<64x16xf32>
    %get3A_55 = arith.constant 0 : index
    %get3A_56 = arith.constant 0 : index
    %get3A_57 = vector.load %arg8[%get3A_55, %get3A_56] : memref<1x16xf32, #tpu.memory_space<vmem>>, vector<1x16xf32>
    %add3A_58 = vector.broadcast %get3A_57 : vector<1x16xf32> to vector<64x16xf32>
    %add3A_59 = arith.addf %dot_general3A_54, %add3A_58 : vector<64x16xf32>
    %max3A_60 = arith.constant 0.000000e+00 : f32
    %max3A_61 = vector.broadcast %max3A_60 : f32 to vector<64x16xf32>
    %max3A_62 = arith.maximumf %add3A_59, %max3A_61 : vector<64x16xf32>
    %get3A_63 = arith.constant 0 : index
    %get3A_64 = arith.constant 0 : index
    %get3A_65 = vector.load %arg9[%get3A_63, %get3A_64] : memref<16x8xf32, #tpu.memory_space<vmem>>, vector<16x8xf32>
    %dot_general3A_66 = arith.constant dense<0.000000e+00> : vector<64x8xf32>
    %dot_general3A_67 = tpu.matmul %max3A_62, %get3A_65, %dot_general3A_66 {dimension_numbers = #tpu.dot_dimension_numbers<[1], [0], [0], [1], [0, 0, 1, 1], [], []>, transpose_lhs_hint = false} : vector<64x16xf32>, vector<16x8xf32>, vector<64x8xf32> -> vector<64x8xf32>
    %get3A_68 = arith.constant 0 : index
    %get3A_69 = arith.constant 0 : index
    %get3A_70 = vector.load %arg10[%get3A_68, %get3A_69] : memref<1x8xf32, #tpu.memory_space<vmem>>, vector<1x8xf32>
    %add3A_71 = vector.broadcast %get3A_70 : vector<1x8xf32> to vector<64x8xf32>
    %add3A_72 = arith.addf %dot_general3A_67, %add3A_71 : vector<64x8xf32>
    %swap3A = arith.constant 0 : index
    %swap3A_73 = arith.constant 0 : index
    %swap3A_74 = vector.load %arg11[%swap3A, %swap3A_73] : memref<64x8xf32, #tpu.memory_space<vmem>>, vector<64x8xf32>
    tpu.vector_store %arg11[%swap3A, %swap3A_73], %add3A_72 {strides = array<i32>} : memref<64x8xf32, #tpu.memory_space<vmem>>, vector<64x8xf32>,
    return
  }
}

</mosaic_0001>

<sc_bundles>
// kernel: sc_gather.3.cloned.1.call-start
scs
__scs_entry_jumppad:
0x0: {  	(pc) =	sbr.rel $0x88, $3  }
0x1: {  	(tag) =	ssettag $0x0;
	lr =	simm.s32 $0x1  }
0x2: {  	[smem:$0x3F89] =	sst lr;
	_ =	strace $0xD0000000  }
0x3: {  	_ = 	snop  }
0x4: {  	_ = 	snop  }
0x5: {  	_ = 	snop  }
0x6: {  	_ = 	snop  }
0x7: {  	_ = 	snop  }
__scs_overlays_trampoline_lowered:
0x8: {  	[smem:$0x3F98] =	sst s0  }
0x9: {  	[smem:$0x3F99] =	sst s1  }
0xa: {  	[smem:$0x3F9A] =	sst s2  }
0xb: {  	[smem:$0x3F9B] =	sst s3  }
0xc: {  	[smem:$0x3F9C] =	sst s4  }
0xd: {  	[smem:$0x3F9D] =	sst s5  }
0xe: {  	[smem:$0x3F9E] =	sst s6  }
0xf: {  	[smem:$0x3F9F] =	sst s7  }
0x10: {  	[smem:$0x3FA0] =	sst s8  }
0x11: {  	[smem:$0x3FA1] =	sst s9;
	s0 =	simm.s32 @!p0 $0x0  }
0x12: {  	s1 =	sld [smem:$0x3F87];
	s0 =	simm.s32 @p0 $0x1  }
0x13: {  	[smem:$0x3FA2] =	sst s0;
	s0 =	simm.s32 @!p1 $0x0  }
0x14: {  	s2 =	sld [smem:$0x3F86];
	s0 =	simm.s32 @p1 $0x1  }
0x15: {  	[smem:$0x3FA3] =	sst s0;
	s0 =	simm.s32 @!p2 $0x0  }
0x16: {  	s3 =	sld [smem:$0x3FDB];
	s0 =	simm.s32 @p2 $0x1  }
0x17: {  	s4 =	simm.s32 $0x1BF5;
	[smem:$0x3FA5] =	sst s0  }
0x18: {  	s0 =	sld [smem:$0x3F88];
	_ =	swait.ge [sflag:s4], $0x0  }
0x19: {  	s7 =	sld [smem:$0x3F89]  }
0x1a: {  	s8 =	sadd.s32 $0xFFFFE003, lr  }
0x1b: {  	s9 =	sadd.s32 $0xFFFFFEF7, lr;
	s5 =	simm.s32 $0xFFFFFFFF;
	p2 =	slt.u32 s8, $0xFFFFF086  }
0x1c: {  	p1 =	slt.u32 s9, $0xF7A;
	s5 =	simm.s32 @!p2 $0x0  }
0x1d: {  	s5 =	simm.s32 @p1 $0x1;
	p0 =	seq.s32 s7, s2  }
0x1e: {  	s7 =	smul.u32 @!p0 $0xF7A, s2;
	p2 =	seq.s32 @!p0 s5, $0x0  }
0x1f: {  	s9 =	smul.u32 $0xF7A, s1;
	s8 =	simm.s32 @!p0 $0x1BF5;
	p2 =	por !p2, p0  }
0x20: {  	[sflag:s8] =	ssyncset.s32 @!p0 $0xFFFFF086;
	s6 =	sadd.s32 @!p0 s3, s7;
	s7 =	simm.s32 @!p0 $0x108  }
0x21: {  	s3 =	sadd.s32 s3, s9;
	s6 =	sadd.s32 @!p0 $0x88, s6;
	s7 =	simm.s32 @p2 $0x1082  }
0x22: {  	[simem:s7], [sflag:s8] =	dma.local @!p0 [hbm:s6], $0xF7A  }
0x23: {  	s9 =	sor.u32 $0xD0000000, s2;
	s6 =	simm.s32 $0x108;
	_ =	swait.ge @!p0 [sflag:s8], $0x0  }
0x24: {  	s3 =	sadd.s32 $0x88, s3;
	s6 =	simm.s32 @!p1 $0x1082;
	[sflag:s4] =	ssyncset.s32 $0xFFFFF086  }
0x25: {  	[simem:s6], [sflag:s4] =	dma.local [hbm:s3], $0xF7A  }
0x26: {  	[smem:$0x3F89] =	sst s1;
	(tag) =	ssettag s2;
	_ =	strace s9  }
0x27: {  	s1 =	sld [smem:$0x3F99]  }
0x28: {  	s2 =	sld [smem:$0x3F9A]  }
0x29: {  	s4 =	sld [smem:$0x3F9C]  }
0x2a: {  	p0 =	seq.s32 s5, $0x0;
	s5 =	sld [smem:$0x3F9D]  }
0x2b: {  	s6 =	sld [smem:$0x3F9E]  }
0x2c: {  	s7 =	sld [smem:$0x3F9F]  }
0x2d: {  	s3 =	simm.s32 $0x108;
	s8 =	sld [smem:$0x3FA0]  }
0x2e: {  	s3 =	simm.s32 @!p0 $0x1082;
	s9 =	sld [smem:$0x3FA1]  }
0x2f: {  	lr =	sadd.s32 s0, s3;
	s0 =	sld [smem:$0x3F98]  }
0x30: {  	s3 =	sld [smem:$0x3F9B]  }
0x31: {  	[smem:$0x3FA4] =	sst s10  }
0x32: {  	s10 =	sld [smem:$0x3FA2];
	_ =	sdelay $0x3  }
0x33: {  	p0 =	seq.s32 s10, $0x1;
	s10 =	sld [smem:$0x3FA4];
	_ =	sdelay $0x3  }
0x34: {  	[smem:$0x3FA4] =	sst s10  }
0x35: {  	s10 =	sld [smem:$0x3FA3];
	_ =	sdelay $0x3  }
0x36: {  	p1 =	seq.s32 s10, $0x1;
	s10 =	sld [smem:$0x3FA4];
	_ =	sdelay $0x3  }
0x37: {  	[smem:$0x3FA4] =	sst s10  }
0x38: {  	s10 =	sld [smem:$0x3FA5]  }
0x39: {  	_ = 	snop;
	(pc) =	sbr.ind lr, $3  }
0x3a: {  	_ = 	snop  }
0x3b: {  	_ = 	snop  }
0x3c: {  	p2 =	seq.s32 s10, $0x1;
	s10 =	sld [smem:$0x3FA4]  }
0x3d: {  	_ =	shalt  }
0x3e: {  	_ =	shalt  }
0x3f: {  	_ =	shalt  }
0x40: {  	_ =	shalt  }
0x41: {  	_ =	shalt  }
0x42: {  	_ =	shalt  }
0x43: {  	_ =	shalt  }
0x44: {  	_ =	shalt  }
0x45: {  	_ =	shalt  }
0x46: {  	_ =	shalt  }
0x47: {  	_ =	shalt  }
0x48: {  	_ =	shalt  }
0x49: {  	_ =	shalt  }
0x4a: {  	_ =	shalt  }
0x4b: {  	_ =	shalt  }
0x4c: {  	_ =	shalt  }
0x4d: {  	_ =	shalt  }
0x4e: {  	_ =	shalt  }
0x4f: {  	_ =	shalt  }
0x50: {  	_ =	shalt  }
0x51: {  	_ =	shalt  }
0x52: {  	_ =	shalt  }
0x53: {  	_ =	shalt  }
0x54: {  	_ =	shalt  }
0x55: {  	_ =	shalt  }
0x56: {  	_ =	shalt  }
0x57: {  	_ =	shalt  }
0x58: {  	_ =	shalt  }
0x59: {  	_ =	shalt  }
0x5a: {  	_ =	shalt  }
0x5b: {  	_ =	shalt  }
0x5c: {  	_ =	shalt  }
0x5d: {  	_ =	shalt  }
0x5e: {  	_ =	shalt  }
0x5f: {  	_ =	shalt  }
0x60: {  	_ =	shalt  }
0x61: {  	_ =	shalt  }
0x62: {  	_ =	shalt  }
0x63: {  	_ =	shalt  }
0x64: {  	_ =	shalt  }
0x65: {  	_ =	shalt  }
0x66: {  	_ =	shalt  }
0x67: {  	_ =	shalt  }
0x68: {  	_ =	shalt  }
0x69: {  	_ =	shalt  }
0x6a: {  	_ =	shalt  }
0x6b: {  	_ =	shalt  }
0x6c: {  	_ =	shalt  }
0x6d: {  	_ =	shalt  }
0x6e: {  	_ =	shalt  }
0x6f: {  	_ =	shalt  }
0x70: {  	_ =	shalt  }
0x71: {  	_ =	shalt  }
0x72: {  	_ =	shalt  }
0x73: {  	_ =	shalt  }
0x74: {  	_ =	shalt  }
0x75: {  	_ =	shalt  }
0x76: {  	_ =	shalt  }
0x77: {  	_ =	shalt  }
0x78: {  	_ =	shalt  }
0x79: {  	_ =	shalt  }
0x7a: {  	_ =	shalt  }
0x7b: {  	_ =	shalt  }
0x7c: {  	_ =	shalt  }
0x7d: {  	_ =	shalt  }
0x7e: {  	_ =	shalt  }
0x7f: {  	_ =	shalt  }
0x80: {  	_ =	shalt  }
0x81: {  	_ =	shalt  }
0x82: {  	_ =	shalt  }
0x83: {  	_ =	shalt  }
0x84: {  	_ =	shalt  }
0x85: {  	_ =	shalt  }
0x86: {  	_ =	shalt  }
0x87: {  	_ =	shalt  }
.Lfunc_end0:
.L_simem_size_0:
called_computation_lowered:
.L_overlay_start_0:
0x88: {  	s2 =	sld [smem:$0x3FD9]  }
0x89: {  	s3 =	sld [smem:$0x3FFE];
	_ =	sdelay $0x1  }
0x8a: {  	s1 =	srdreg.scid  }
0x8b: {  	s0 =	sand.u32 $0x1, s1  }
0x8c: {  	s16 =	sshll.u32 s0, $0xA;
	s2 =	sadd.s32 s3, s2  }
0x8d: {  	s2 =	sadd.s32 s2, s16  }
0x8e: {  	[smem:$0x3FB0] =	sst s2  }
0x8f: {  	_ = 	snop  }
0x90: {  	(tm) =	ssettm $0x1  }
0x91: {  	s17 =	sld [smem:$0x3FFB];
	_ =	sdelay $0x3  }
0x92: {  	_ =	strace s17  }
0x93: {  	s2 =	sld [smem:$0x3FFC];
	_ =	sdelay $0x3  }
0x94: {  	_ =	strace s2  }
0x95: {  	s2 =	sld [smem:$0x3FFD];
	_ =	sdelay $0x3  }
0x96: {  	_ =	strace s2  }
0x97: {  	_ =	strace $0x8FFFFFFF  }
0x98: {  	s18 =	sld [smem:$0x3FDB];
	_ =	sdelay $0x1  }
0x99: {  	s19 =	simm.s32 $_scs_section_size  }
0x9a: {  	s4 =	simm.s32 $_size__tile_overlayer_lowered;
	s5 =	simm.s32 $_tile_overlayer_lowered  }
0x9b: {  	s22 =	simm.s32 $0x1BFF;
	s21 =	sshll.u32 s5, $0x1;
	s2 =	sadd.s32 s19, s18  }
0x9c: {  	s6 =	simm.s32 $0x0;
	s20 =	sshll.u32 s4, $0x1;
	s4 =	sadd.s32 s21, s2  }
0x9d: {  	[timem:s6], [sflag:s22] =	dma.local [hbm:s4], s20  }
0x9e: {  	_ =	swait.ge [sflag:s22], s20  }
0x9f: {  	s3 =	ssub.s32 $0x0, s20;
	[sflag:s22] =	ssyncset.done $0x0  }
0xa0: {  	[sflag:s22] =	ssyncadd.s32 s3;
	_ =	sdelay $0x1  }
0xa1: {  	s23 =	simm.s32 $0x1B8B  }
0xa2: {  	_ =	swait.ge [sflag:s23], $0x1  }
0xa3: {  	[sflag:s23] =	ssyncset.done $0x0  }
0xa4: {  	s25 =	simm.s32 $0x1B8E;
	s24 =	sld [smem:$0x3FFE];
	[sflag:s23] =	ssyncadd.s32 $0xFFFFFFFF  }
0xa5: {  	s26 =	simm.s32 $execute0_lowered;
	[smem:$0x3FD2] =	sst s25  }
0xa6: {  	s4 =	sshll.u32 s26, $0x1;
	_ =	strace $0x80000046;
	[dreg:$0x1] =	wrdreg $0xFFFFFFFF  }
0xa7: {  	s28 =	simm.s32 $_size_execute0_lowered;
	s2 =	sadd.s32 s2, s4;
	[dreg:$0x0] =	wrdreg $0x0  }
0xa8: {  	s4 =	sshll.u32 s28, $0x1;
	[dreg:$0x2] =	wrdreg s2  }
0xa9: {  	[dreg:$0x3] =	wrdreg s4  }
0xaa: {  	[dreg:$0x4] =	wrdreg $0xC0  }
0xab: {  	_ =	task [dreg:s6], $0x5FFFF  }
0xac: {  	[dreg:$0x1] =	wrdreg $0xFFFFFFFF  }
0xad: {  	[dreg:$0x0] =	wrdreg $0x60  }
0xae: {  	[dreg:$0x2] =	wrdreg s24  }
0xaf: {  	[dreg:$0x3] =	wrdreg $0x14C800  }
0xb0: {  	[dreg:$0x4] =	wrdreg $0x9  }
0xb1: {  	_ =	task.clear_ibuf [dreg:s6], $0x5FFFF;
	_ =	strace $0x90000046  }
0xb2: {  	s29 =	simm.s32 $0x9;
	_ =	strace $0x80000048  }
0xb3: {  	_ =	swait.ge [sflag:s29], $0x1  }
0xb4: {  	[sflag:s29] =	ssyncadd.s32 $0xFFFFFFFF  }
0xb5: {  	_ =	strace $0x90000048  }
0xb6: {  	_ =	sfence  }
0xb7: {  	s30 =	sld [smem:$0x0];
	_ =	sdelay $0x2  }
0xb8: {  	s31 =	sshll.u32 s1, $0xD;
	s1 =	sshrl.u32 s1, $0x2  }
0xb9: {  	s3 =	sand.u32 $0x4000, s31;
	s1 =	sadd.s32 s1, s30  }
0xba: {  	s0 =	sor.u32 s3, s0;
	s1 =	sshll.u32 s1, $0x11  }
0xbb: {  	s0 =	sor.u32 s1, s0  }
0xbc: {  	s0 =	sadd.s32 $0x8F2B, s0  }
0xbd: {  	[sflag:s0] =	ssyncadd.remote.s32 $0x1  }
0xbe: {  	_ =	sfence.sel $0xFFFF  }
0xbf: {  	[dreg:$0x0] =	wrdreg $0xFFFFFFFF;
	(pc) =	sbr.abs _section_cstart, $3  }
0xc0: {  	[dreg:$0x1] =	wrdreg $0xFFFFFFFF  }
0xc1: {  	_ =	task.clear_ibuf [dreg:s6], $0x2FFFF;
	_ =	strace $0x9FFFFFFF  }
0xc2: {  	(tm) =	ssettm $0x7FFFFFFF  }
0xc3: {  	_ =	shalt  }
tec
execute0_lowered:
.L_overlay_start_1:
0x0: {  	(tag) =	ssettag $0x1  }
0x1: {  	s4 =	rddreg [dreg:$0x0]  }
0x2: {  	s2 =	rddreg [dreg:$0x1];
	s1 =	stileid.u32  }
0x3: {  	s3 =	srdreg.scid;
	s0 =	rddreg [dreg:$0x2];
	s13 =	simm.s32 $0x0  }
0x4: {  	s5 =	sand.u32 $0x1, s3;
	s6 =	sshll.u32 s1, $0x1;
	s3 =	simm.s32 $0x0  }
0x5: {  	s7 =	smul.u32 $0x2720, s1;
	s31 =	sshll.u32 s1, $0x6;
	s6 =	sor.u32 s5, s6  }
0x6: {  	[smem:$0x7FF] =	sst s3;
	s5 =	ssub.s32 $0x2, s5;
	s8 =	smul.u32 $0x280, s6  }
0x7: {  	s9 =	sshrl.u32 s7, $0x3;
	s6 =	smul.u32 $0x2710, s6;
	_ =	strace $0x80000047  }
0x8: {  	s10 =	sshrl.u32 s5, $0x1;
	s12 =	sadd.s32 s7, s2;
	s9 =	sadd.s32 s9, s4  }
0x9: {  	s10 =	ssub.s32 s5, s10;
	s5 =	sor.u32 $0x1C01, s31;
	s8 =	sadd.s32 s8, s4  }
0xa: {  	s11 =	sadd.s32 s6, s4;
	s4 =	sadd.s32 $0x5000, s9;
	s9 =	sshrl.u32 s12, $0x3  }
0xb: {  	s12 =	simm.s32 $0x1400;
	s6 =	sadd.s32 $0xA000, s8;
	s7 =	sadd.s32 $0xF000, s11  }
0xc: {  	s8 =	smax.u32 s10, $0x1;
	s10 =	simm.s32 $0x1;
	s11 =	simm.s32 $0x7D  }
.LBB2_1:
0xd: {  	[spmem:s9], [sflag:s5] =	dma.local [hbm:s4], $0x4E4  }
0xe: {  	_ =	swait.ge [sflag:s10], $0x4E4  }
0xf: {  	[sflag:s10] =	ssyncset.done $0x0  }
0x10: {  	[sflag:s10] =	ssyncadd.s32 $0xFFFFFB1C  }
0x11: {  	[tilespmem:s3], [sflag:$0x1] =	stream.linear.gather [hbm4b:s6+s3], $0x1400, $0x38;
	[tilespmem:$0x173A0] =	vst v63  }
0x12: {  	_ =	swait.ge [sflag:s10], $0x1400  }
0x13: {  	[sflag:s10] =	ssyncset.done $0x0  }
0x14: {  	[sflag:s10] =	ssyncadd.s32 $0xFFFFEC00  }
0x15: {  	s14 =	simm.s32 $0x0;
	[bflag:$0x0] =	sbarrier.arrive $0xFFFF  }
0x16: {  	[tilespmem:s12], [sflag:$0x1] =	stream.indirect.gather [spmem:s2], $0x10, s14, s11, $0xb8;
	[tilespmem:$0x173A0] =	vst v63  }
0x17: {  	_ =	swait.ge [sflag:s10], $0x7D0  }
0x18: {  	s15 =	simm.s32 $0x1400;
	s14 =	simm.s32 $0x200;
	[sflag:s10] =	ssyncset.done $0x0  }
.LBB2_2:
0x19: {  	s16 =	sshra.s32 s14, $0x2  }
0x1a: {  	[sflag:s10] =	ssyncadd.s32 $0xFFFFF830;
	s15 =	sadd.s32 $0x7D0, s15;
	p0 =	sne.s32 s14, $0x4E00  }
0x1b: {  	[tilespmem:s15], [sflag:$0x1] =	stream.indirect.gather [spmem:s2], $0x10, s16, s11, $0xb8;
	[tilespmem:$0x173A0] =	vst v63  }
.Ltmp0:
0x1c: {  	_ = 	snop;
	(pc) =	sbr.rel @p0 .LBB2_2-.Ltmp0, $4  }
0x1d: {  	_ = 	snop  }
0x1e: {  	s14 =	sadd.s32 $0x200, s14  }
0x1f: {  	_ =	swait.ge [sflag:s10], $0x7D0  }
0x20: {  	[sflag:s10] =	ssyncset.done $0x0  }
0x21: {  	s13 =	sadd.s32 $0x1, s13  }
0x22: {  	p0 =	sne.s32 s13, s8  }
.Ltmp1:
0x23: {  	[sflag:s10] =	ssyncadd.s32 $0xFFFFF830;
	(pc) =	sbr.rel @p0 .LBB2_1-.Ltmp1, $4  }
0x24: {  	[hbm4b:s7+s3] =	stream.linear.scatter [tilespmem:s12], [sflag:$0x1], $0x13880, $0x38;
	[tilespmem:$0x173A0] =	vst v63  }
0x25: {  	_ =	swait.ge [sflag:s10], $0x13880  }
0x26: {  	[sflag:s10] =	ssyncset.done $0x0  }
0x27: {  	[sflag:s10] =	ssyncadd.s32 $0xFFFEC780  }
0x28: {  	_ =	sfence.sel $0x180000  }
0x29: {  	[bflag:$0x0] =	sbarrier.arrive $0xFFFF  }
0x2a: {  	p0 =	sne.s32 s1, $0x0;
	_ =	strace $0x90000047  }
0x2b: {  	s0 =	sadd.s32 @!p0 $0x100000, s0;
	[bflag:$0x2] =	sbarrier.arrive $0xFFFF  }
0x2c: {  	[sflag:s0] =	ssyncadd.tile.s32 @!p0 $0x1;
	_ =	shalt  }
.Lfunc_end2:
_tile_overlayer_lowered:
.L_overlay_start_2:
0x2d: {  	(tag) =	ssettag $0x2  }
0x2e: {  	s0 =	rddreg [dreg:$0x0];
	s2 =	stileid.u32  }
0x2f: {  	s1 =	rddreg [dreg:$0x1];
	p0 =	sne.s32 s2, $0x0  }
0x30: {  	s3 =	rddreg [dreg:$0x2];
	[bflag:$0x3] =	sbarrier.arrive $0xFFFF;
	s2 =	simm.s32 @!p0 $0x1C01  }
0x31: {  	[timem:s3], [sflag:s2] =	dma.local @!p0 [hbm:s0], s1  }
0x32: {  	s0 =	simm.s32 @!p0 $0x1  }
0x33: {  	_ =	swait.ge @!p0 [sflag:s0], s1  }
0x34: {  	s1 =	ssub.s32 @!p0 $0x0, s1;
	[sflag:s0] =	ssyncset.done @!p0 $0x0  }
0x35: {  	[sflag:s0] =	ssyncadd.s32 @!p0 s1  }
0x36: {  	[bflag:$0x3] =	sbarrier.arrive $0xFFFF  }
0x37: {  	_ =	shalt  }

// kernel: sc_node_gather.3.cloned.1.call-start
scs
__scs_entry_jumppad:
0x0: {  	(pc) =	sbr.rel $0x88, $3  }
0x1: {  	(tag) =	ssettag $0x0;
	lr =	simm.s32 $0x1  }
0x2: {  	[smem:$0x3F89] =	sst lr;
	_ =	strace $0xD0000000  }
0x3: {  	_ = 	snop  }
0x4: {  	_ = 	snop  }
0x5: {  	_ = 	snop  }
0x6: {  	_ = 	snop  }
0x7: {  	_ = 	snop  }
__scs_overlays_trampoline_lowered:
0x8: {  	[smem:$0x3F98] =	sst s0  }
0x9: {  	[smem:$0x3F99] =	sst s1  }
0xa: {  	[smem:$0x3F9A] =	sst s2  }
0xb: {  	[smem:$0x3F9B] =	sst s3  }
0xc: {  	[smem:$0x3F9C] =	sst s4  }
0xd: {  	[smem:$0x3F9D] =	sst s5  }
0xe: {  	[smem:$0x3F9E] =	sst s6  }
0xf: {  	[smem:$0x3F9F] =	sst s7  }
0x10: {  	[smem:$0x3FA0] =	sst s8  }
0x11: {  	[smem:$0x3FA1] =	sst s9;
	s0 =	simm.s32 @!p0 $0x0  }
0x12: {  	s1 =	sld [smem:$0x3F87];
	s0 =	simm.s32 @p0 $0x1  }
0x13: {  	[smem:$0x3FA2] =	sst s0;
	s0 =	simm.s32 @!p1 $0x0  }
0x14: {  	s2 =	sld [smem:$0x3F86];
	s0 =	simm.s32 @p1 $0x1  }
0x15: {  	[smem:$0x3FA3] =	sst s0;
	s0 =	simm.s32 @!p2 $0x0  }
0x16: {  	s3 =	sld [smem:$0x3FDB];
	s0 =	simm.s32 @p2 $0x1  }
0x17: {  	s4 =	simm.s32 $0x1BF5;
	[smem:$0x3FA5] =	sst s0  }
0x18: {  	s0 =	sld [smem:$0x3F88];
	_ =	swait.ge [sflag:s4], $0x0  }
0x19: {  	s7 =	sld [smem:$0x3F89]  }
0x1a: {  	s8 =	sadd.s32 $0xFFFFE003, lr  }
0x1b: {  	s9 =	sadd.s32 $0xFFFFFEF7, lr;
	s5 =	simm.s32 $0xFFFFFFFF;
	p2 =	slt.u32 s8, $0xFFFFF086  }
0x1c: {  	p1 =	slt.u32 s9, $0xF7A;
	s5 =	simm.s32 @!p2 $0x0  }
0x1d: {  	s5 =	simm.s32 @p1 $0x1;
	p0 =	seq.s32 s7, s2  }
0x1e: {  	s7 =	smul.u32 @!p0 $0xF7A, s2;
	p2 =	seq.s32 @!p0 s5, $0x0  }
0x1f: {  	s9 =	smul.u32 $0xF7A, s1;
	s8 =	simm.s32 @!p0 $0x1BF5;
	p2 =	por !p2, p0  }
0x20: {  	[sflag:s8] =	ssyncset.s32 @!p0 $0xFFFFF086;
	s6 =	sadd.s32 @!p0 s3, s7;
	s7 =	simm.s32 @!p0 $0x108  }
0x21: {  	s3 =	sadd.s32 s3, s9;
	s6 =	sadd.s32 @!p0 $0x88, s6;
	s7 =	simm.s32 @p2 $0x1082  }
0x22: {  	[simem:s7], [sflag:s8] =	dma.local @!p0 [hbm:s6], $0xF7A  }
0x23: {  	s9 =	sor.u32 $0xD0000000, s2;
	s6 =	simm.s32 $0x108;
	_ =	swait.ge @!p0 [sflag:s8], $0x0  }
0x24: {  	s3 =	sadd.s32 $0x88, s3;
	s6 =	simm.s32 @!p1 $0x1082;
	[sflag:s4] =	ssyncset.s32 $0xFFFFF086  }
0x25: {  	[simem:s6], [sflag:s4] =	dma.local [hbm:s3], $0xF7A  }
0x26: {  	[smem:$0x3F89] =	sst s1;
	(tag) =	ssettag s2;
	_ =	strace s9  }
0x27: {  	s1 =	sld [smem:$0x3F99]  }
0x28: {  	s2 =	sld [smem:$0x3F9A]  }
0x29: {  	s4 =	sld [smem:$0x3F9C]  }
0x2a: {  	p0 =	seq.s32 s5, $0x0;
	s5 =	sld [smem:$0x3F9D]  }
0x2b: {  	s6 =	sld [smem:$0x3F9E]  }
0x2c: {  	s7 =	sld [smem:$0x3F9F]  }
0x2d: {  	s3 =	simm.s32 $0x108;
	s8 =	sld [smem:$0x3FA0]  }
0x2e: {  	s3 =	simm.s32 @!p0 $0x1082;
	s9 =	sld [smem:$0x3FA1]  }
0x2f: {  	lr =	sadd.s32 s0, s3;
	s0 =	sld [smem:$0x3F98]  }
0x30: {  	s3 =	sld [smem:$0x3F9B]  }
0x31: {  	[smem:$0x3FA4] =	sst s10  }
0x32: {  	s10 =	sld [smem:$0x3FA2];
	_ =	sdelay $0x3  }
0x33: {  	p0 =	seq.s32 s10, $0x1;
	s10 =	sld [smem:$0x3FA4];
	_ =	sdelay $0x3  }
0x34: {  	[smem:$0x3FA4] =	sst s10  }
0x35: {  	s10 =	sld [smem:$0x3FA3];
	_ =	sdelay $0x3  }
0x36: {  	p1 =	seq.s32 s10, $0x1;
	s10 =	sld [smem:$0x3FA4];
	_ =	sdelay $0x3  }
0x37: {  	[smem:$0x3FA4] =	sst s10  }
0x38: {  	s10 =	sld [smem:$0x3FA5]  }
0x39: {  	_ = 	snop;
	(pc) =	sbr.ind lr, $3  }
0x3a: {  	_ = 	snop  }
0x3b: {  	_ = 	snop  }
0x3c: {  	p2 =	seq.s32 s10, $0x1;
	s10 =	sld [smem:$0x3FA4]  }
0x3d: {  	_ =	shalt  }
0x3e: {  	_ =	shalt  }
0x3f: {  	_ =	shalt  }
0x40: {  	_ =	shalt  }
0x41: {  	_ =	shalt  }
0x42: {  	_ =	shalt  }
0x43: {  	_ =	shalt  }
0x44: {  	_ =	shalt  }
0x45: {  	_ =	shalt  }
0x46: {  	_ =	shalt  }
0x47: {  	_ =	shalt  }
0x48: {  	_ =	shalt  }
0x49: {  	_ =	shalt  }
0x4a: {  	_ =	shalt  }
0x4b: {  	_ =	shalt  }
0x4c: {  	_ =	shalt  }
0x4d: {  	_ =	shalt  }
0x4e: {  	_ =	shalt  }
0x4f: {  	_ =	shalt  }
0x50: {  	_ =	shalt  }
0x51: {  	_ =	shalt  }
0x52: {  	_ =	shalt  }
0x53: {  	_ =	shalt  }
0x54: {  	_ =	shalt  }
0x55: {  	_ =	shalt  }
0x56: {  	_ =	shalt  }
0x57: {  	_ =	shalt  }
0x58: {  	_ =	shalt  }
0x59: {  	_ =	shalt  }
0x5a: {  	_ =	shalt  }
0x5b: {  	_ =	shalt  }
0x5c: {  	_ =	shalt  }
0x5d: {  	_ =	shalt  }
0x5e: {  	_ =	shalt  }
0x5f: {  	_ =	shalt  }
0x60: {  	_ =	shalt  }
0x61: {  	_ =	shalt  }
0x62: {  	_ =	shalt  }
0x63: {  	_ =	shalt  }
0x64: {  	_ =	shalt  }
0x65: {  	_ =	shalt  }
0x66: {  	_ =	shalt  }
0x67: {  	_ =	shalt  }
0x68: {  	_ =	shalt  }
0x69: {  	_ =	shalt  }
0x6a: {  	_ =	shalt  }
0x6b: {  	_ =	shalt  }
0x6c: {  	_ =	shalt  }
0x6d: {  	_ =	shalt  }
0x6e: {  	_ =	shalt  }
0x6f: {  	_ =	shalt  }
0x70: {  	_ =	shalt  }
0x71: {  	_ =	shalt  }
0x72: {  	_ =	shalt  }
0x73: {  	_ =	shalt  }
0x74: {  	_ =	shalt  }
0x75: {  	_ =	shalt  }
0x76: {  	_ =	shalt  }
0x77: {  	_ =	shalt  }
0x78: {  	_ =	shalt  }
0x79: {  	_ =	shalt  }
0x7a: {  	_ =	shalt  }
0x7b: {  	_ =	shalt  }
0x7c: {  	_ =	shalt  }
0x7d: {  	_ =	shalt  }
0x7e: {  	_ =	shalt  }
0x7f: {  	_ =	shalt  }
0x80: {  	_ =	shalt  }
0x81: {  	_ =	shalt  }
0x82: {  	_ =	shalt  }
0x83: {  	_ =	shalt  }
0x84: {  	_ =	shalt  }
0x85: {  	_ =	shalt  }
0x86: {  	_ =	shalt  }
0x87: {  	_ =	shalt  }
.Lfunc_end0:
.L_simem_size_0:
called_computation.2_lowered:
.L_overlay_start_0:
0x88: {  	s2 =	sld [smem:$0x3FD9]  }
0x89: {  	s3 =	sld [smem:$0x3FFE];
	_ =	sdelay $0x1  }
0x8a: {  	s1 =	srdreg.scid  }
0x8b: {  	s0 =	sand.u32 $0x1, s1  }
0x8c: {  	s16 =	sshll.u32 s0, $0xA;
	s2 =	sadd.s32 s3, s2  }
0x8d: {  	s2 =	sadd.s32 s2, s16  }
0x8e: {  	[smem:$0x3FB0] =	sst s2  }
0x8f: {  	_ = 	snop  }
0x90: {  	(tm) =	ssettm $0x1  }
0x91: {  	s17 =	sld [smem:$0x3FFB];
	_ =	sdelay $0x3  }
0x92: {  	_ =	strace s17  }
0x93: {  	s2 =	sld [smem:$0x3FFC];
	_ =	sdelay $0x3  }
0x94: {  	_ =	strace s2  }
0x95: {  	s2 =	sld [smem:$0x3FFD];
	_ =	sdelay $0x3  }
0x96: {  	_ =	strace s2  }
0x97: {  	_ =	strace $0x8FFFFFFF  }
0x98: {  	s18 =	sld [smem:$0x3FDB];
	_ =	sdelay $0x1  }
0x99: {  	s19 =	simm.s32 $_scs_section_size  }
0x9a: {  	s4 =	simm.s32 $_size__tile_overlayer_lowered;
	s5 =	simm.s32 $_tile_overlayer_lowered  }
0x9b: {  	s22 =	simm.s32 $0x1BFF;
	s21 =	sshll.u32 s5, $0x1;
	s2 =	sadd.s32 s19, s18  }
0x9c: {  	s6 =	simm.s32 $0x0;
	s20 =	sshll.u32 s4, $0x1;
	s4 =	sadd.s32 s21, s2  }
0x9d: {  	[timem:s6], [sflag:s22] =	dma.local [hbm:s4], s20  }
0x9e: {  	_ =	swait.ge [sflag:s22], s20  }
0x9f: {  	s3 =	ssub.s32 $0x0, s20;
	[sflag:s22] =	ssyncset.done $0x0  }
0xa0: {  	[sflag:s22] =	ssyncadd.s32 s3;
	_ =	sdelay $0x1  }
0xa1: {  	s23 =	simm.s32 $0x1B8B  }
0xa2: {  	_ =	swait.ge [sflag:s23], $0x1  }
0xa3: {  	[sflag:s23] =	ssyncset.done $0x0  }
0xa4: {  	s25 =	simm.s32 $0x1B8E;
	s24 =	sld [smem:$0x3FFE];
	[sflag:s23] =	ssyncadd.s32 $0xFFFFFFFF  }
0xa5: {  	s26 =	simm.s32 $execute0_lowered;
	[smem:$0x3FD2] =	sst s25  }
0xa6: {  	s4 =	sshll.u32 s26, $0x1;
	_ =	strace $0x8000004C;
	[dreg:$0x1] =	wrdreg $0xFFFFFFFF  }
0xa7: {  	s28 =	simm.s32 $_size_execute0_lowered;
	s2 =	sadd.s32 s2, s4;
	[dreg:$0x0] =	wrdreg $0x0  }
0xa8: {  	s4 =	sshll.u32 s28, $0x1;
	[dreg:$0x2] =	wrdreg s2  }
0xa9: {  	[dreg:$0x3] =	wrdreg s4  }
0xaa: {  	[dreg:$0x4] =	wrdreg $0xC0  }
0xab: {  	_ =	task [dreg:s6], $0x5FFFF  }
0xac: {  	[dreg:$0x1] =	wrdreg $0xFFFFFFFF  }
0xad: {  	[dreg:$0x0] =	wrdreg $0x60  }
0xae: {  	[dreg:$0x2] =	wrdreg s24  }
0xaf: {  	[dreg:$0x3] =	wrdreg $0x1C1E00  }
0xb0: {  	[dreg:$0x4] =	wrdreg $0x9  }
0xb1: {  	_ =	task.clear_ibuf [dreg:s6], $0x5FFFF;
	_ =	strace $0x9000004C  }
0xb2: {  	s29 =	simm.s32 $0x9;
	_ =	strace $0x8000004E  }
0xb3: {  	_ =	swait.ge [sflag:s29], $0x1  }
0xb4: {  	[sflag:s29] =	ssyncadd.s32 $0xFFFFFFFF  }
0xb5: {  	_ =	strace $0x9000004E  }
0xb6: {  	_ =	sfence  }
0xb7: {  	s30 =	sld [smem:$0x0];
	_ =	sdelay $0x2  }
0xb8: {  	s31 =	sshll.u32 s1, $0xD;
	s1 =	sshrl.u32 s1, $0x2  }
0xb9: {  	s3 =	sand.u32 $0x4000, s31;
	s1 =	sadd.s32 s1, s30  }
0xba: {  	s0 =	sor.u32 s3, s0;
	s1 =	sshll.u32 s1, $0x11  }
0xbb: {  	s0 =	sor.u32 s1, s0  }
0xbc: {  	s0 =	sadd.s32 $0x8F2B, s0  }
0xbd: {  	[sflag:s0] =	ssyncadd.remote.s32 $0x1  }
0xbe: {  	_ =	sfence.sel $0xFFFF  }
0xbf: {  	[dreg:$0x0] =	wrdreg $0xFFFFFFFF;
	(pc) =	sbr.abs _section_cstart, $3  }
0xc0: {  	[dreg:$0x1] =	wrdreg $0xFFFFFFFF  }
0xc1: {  	_ =	task.clear_ibuf [dreg:s6], $0x2FFFF;
	_ =	strace $0x9FFFFFFF  }
0xc2: {  	(tm) =	ssettm $0x7FFFFFFF  }
0xc3: {  	_ =	shalt  }
tec
execute0_lowered:
.L_overlay_start_1:
0x0: {  	(tag) =	ssettag $0x1  }
0x1: {  	s1 =	srdreg.scid  }
0x2: {  	s0 =	stileid.u32;
	s4 =	rddreg [dreg:$0x0]  }
0x3: {  	s2 =	rddreg [dreg:$0x1];
	s3 =	simm.s32 $0x0;
	s13 =	simm.s32 $0x1  }
0x4: {  	s14 =	simm.s32 $0x173A0;
	s15 =	simm.s32 $0x19AC0;
	s16 =	simm.s32 $0x7D  }
0x5: {  	s17 =	simm.s32 $0x1400;
	s5 =	sand.u32 $0x1, s1;
	s31 =	sshll.u32 s0, $0x1  }
0x6: {  	s1 =	rddreg [dreg:$0x2];
	s8 =	smul.u32 $0x2720, s0;
	s6 =	sor.u32 s5, s31  }
0x7: {  	s18 =	simm.s32 $0x0;
	[smem:$0x7FF] =	sst s3;
	s7 =	smul.u32 $0x280, s6  }
0x8: {  	_ =	strace $0x8000004D;
	s5 =	ssub.s32 $0x2, s5;
	s6 =	smul.u32 $0x2710, s6  }
0x9: {  	s9 =	sshrl.u32 s8, $0x3;
	s10 =	sshrl.u32 s5, $0x1;
	s8 =	sadd.s32 s8, s2  }
0xa: {  	s9 =	sadd.s32 s9, s4;
	s12 =	ssub.s32 s5, s10;
	s7 =	sadd.s32 s7, s4  }
0xb: {  	s11 =	sadd.s32 s6, s4;
	s4 =	sadd.s32 $0x62200, s9;
	s5 =	sadd.s32 $0x67040, s9  }
0xc: {  	s6 =	sadd.s32 $0x6C000, s9;
	s9 =	sadd.s32 $0xF000, s9;
	s7 =	sadd.s32 $0xA000, s7  }
0xd: {  	s10 =	sadd.s32 $0x71000, s11;
	s11 =	smax.u32 s12, $0x1;
	s12 =	simm.s32 $0x14C80  }
.LBB2_1:
0xe: {  	[tilespmem:s12], [sflag:$0x1] =	stream.linear.gather [hbm4b:s4+s3], $0x2720, $0x38;
	[tilespmem:$0x1E900] =	vst v63  }
0xf: {  	_ =	swait.ge [sflag:s13], $0x2720  }
0x10: {  	[sflag:s13] =	ssyncset.done $0x0  }
0x11: {  	[sflag:s13] =	ssyncadd.s32 $0xFFFFD8E0  }
0x12: {  	[tilespmem:s14], [sflag:$0x1] =	stream.linear.gather [hbm4b:s5+s3], $0x2720, $0x38;
	[tilespmem:$0x1E900] =	vst v63  }
0x13: {  	_ =	swait.ge [sflag:s13], $0x2720  }
0x14: {  	[sflag:s13] =	ssyncset.done $0x0  }
0x15: {  	[sflag:s13] =	ssyncadd.s32 $0xFFFFD8E0  }
0x16: {  	[tilespmem:s15], [sflag:$0x1] =	stream.linear.gather [hbm4b:s6+s3], $0x2720, $0x38;
	[tilespmem:$0x1E900] =	vst v63  }
0x17: {  	_ =	swait.ge [sflag:s13], $0x2720  }
0x18: {  	[sflag:s13] =	ssyncset.done $0x0  }
0x19: {  	[sflag:s13] =	ssyncadd.s32 $0xFFFFD8E0  }
0x1a: {  	[tilespmem:s3], [sflag:$0x1] =	stream.linear.gather [hbm4b:s7+s3], $0x1400, $0x38;
	[tilespmem:$0x1E900] =	vst v63  }
0x1b: {  	_ =	swait.ge [sflag:s13], $0x1400  }
0x1c: {  	[sflag:s13] =	ssyncset.done $0x0  }
0x1d: {  	s19 =	simm.s32 $0x0;
	[sflag:s13] =	ssyncadd.s32 $0xFFFFEC00  }
0x1e: {  	s20 =	simm.s32 $0x40;
	v0 =	vld [tilespmem:s19+$0x173A0]  }
.LBB2_2:
0x1f: {  	p0 =	sne.s32 s20, $0x9C40;
	v1 =	vld [tilespmem:s19+$0x14C80];
	_ =	sdelay $0x1  }
0x20: {  	v2 =	vld [tilespmem:s19+$0x19AC0];
	_ =	sdelay $0x2  }
0x21: {  	v0 =	vadd.f32 v0, v1  }
.Ltmp0:
0x22: {  	(pc) =	sbr.rel @p0 .LBB2_2-.Ltmp0, $3  }
0x23: {  	v0 =	vadd.f32 v2, v0;
	_ =	sdelay $0x1  }
0x24: {  	s21 =	sshra.s32 s20, $0x2;
	v1 =	vmax.f32 v0, $0.0e+00  }
0x25: {  	s20 =	sadd.s32 $0x40, s20;
	v0 =	vld [tilespmem:s21+$0x173A0];
	[tilespmem:s19+$0x14C80] =	vst v1;
	s19 =	smov.u32 s21  }
0x26: {  	v1 =	vld [tilespmem:s19+$0x14C80];
	_ =	sdelay $0x1  }
0x27: {  	v2 =	vld [tilespmem:s19+$0x19AC0];
	_ =	sdelay $0x2  }
0x28: {  	v0 =	vadd.f32 v0, v1;
	_ =	sdelay $0x1  }
0x29: {  	v0 =	vadd.f32 v2, v0;
	_ =	sdelay $0x1  }
0x2a: {  	v0 =	vmax.f32 v0, $0.0e+00  }
0x2b: {  	[tilespmem:s19+$0x14C80] =	vst v0  }
0x2c: {  	[spmem:s8] =	stream.linear.scatter [tilespmem:s12], [sflag:$0x1], $0x2720, $0x38;
	[tilespmem:$0x1E900] =	vst v63  }
0x2d: {  	_ =	swait.ge [sflag:s13], $0x2720  }
0x2e: {  	[sflag:s13] =	ssyncset.done $0x0  }
0x2f: {  	s31 =	simm.s32 $0x0;
	[sflag:s13] =	ssyncadd.s32 $0xFFFFD8E0  }
0x30: {  	[hbm4b:s9+s31] =	stream.linear.scatter [tilespmem:s12], [sflag:$0x1], $0x2720, $0x38;
	[tilespmem:$0x1E900] =	vst v63  }
0x31: {  	_ =	swait.ge [sflag:s13], $0x2720  }
0x32: {  	[sflag:s13] =	ssyncset.done $0x0  }
0x33: {  	[sflag:s13] =	ssyncadd.s32 $0xFFFFD8E0  }
0x34: {  	s20 =	simm.s32 $0x0;
	s19 =	simm.s32 $0x1400;
	[bflag:$0x0] =	sbarrier.arrive $0xFFFF  }
0x35: {  	[tilespmem:s19], [sflag:$0x1] =	stream.indirect.gather [spmem:s2], $0x10, s20, s16, $0xb8;
	[tilespmem:$0x1E900] =	vst v63  }
0x36: {  	_ =	swait.ge [sflag:s13], $0x7D0  }
0x37: {  	s20 =	simm.s32 $0x200;
	[sflag:s13] =	ssyncset.done $0x0  }
.LBB2_4:
0x38: {  	s21 =	sshra.s32 s20, $0x2  }
0x39: {  	[sflag:s13] =	ssyncadd.s32 $0xFFFFF830;
	s19 =	sadd.s32 $0x7D0, s19;
	p0 =	sne.s32 s20, $0x4E00  }
0x3a: {  	[tilespmem:s19], [sflag:$0x1] =	stream.indirect.gather [spmem:s2], $0x10, s21, s16, $0xb8;
	[tilespmem:$0x1E900] =	vst v63  }
.Ltmp1:
0x3b: {  	_ = 	snop;
	(pc) =	sbr.rel @p0 .LBB2_4-.Ltmp1, $4  }
0x3c: {  	_ = 	snop  }
0x3d: {  	s20 =	sadd.s32 $0x200, s20  }
0x3e: {  	_ =	swait.ge [sflag:s13], $0x7D0  }
0x3f: {  	[sflag:s13] =	ssyncset.done $0x0  }
0x40: {  	s18 =	sadd.s32 $0x1, s18  }
0x41: {  	p0 =	sne.s32 s18, s11  }
.Ltmp2:
0x42: {  	[sflag:s13] =	ssyncadd.s32 $0xFFFFF830;
	(pc) =	sbr.rel @p0 .LBB2_1-.Ltmp2, $4  }
0x43: {  	[hbm4b:s10+s3] =	stream.linear.scatter [tilespmem:s17], [sflag:$0x1], $0x13880, $0x38;
	[tilespmem:$0x1E900] =	vst v63  }
0x44: {  	_ =	swait.ge [sflag:s13], $0x13880  }
0x45: {  	[sflag:s13] =	ssyncset.done $0x0  }
0x46: {  	[sflag:s13] =	ssyncadd.s32 $0xFFFEC780  }
0x47: {  	_ =	sfence.sel $0x180000  }
0x48: {  	[bflag:$0x0] =	sbarrier.arrive $0xFFFF  }
0x49: {  	p0 =	sne.s32 s0, $0x0;
	_ =	strace $0x9000004D  }
0x4a: {  	s0 =	sadd.s32 @!p0 $0x100000, s1;
	[bflag:$0x2] =	sbarrier.arrive $0xFFFF  }
0x4b: {  	[sflag:s0] =	ssyncadd.tile.s32 @!p0 $0x1;
	_ =	shalt  }
.Lfunc_end2:
_tile_overlayer_lowered:
.L_overlay_start_2:
0x4c: {  	(tag) =	ssettag $0x2  }
0x4d: {  	s0 =	rddreg [dreg:$0x0];
	s2 =	stileid.u32  }
0x4e: {  	s1 =	rddreg [dreg:$0x1];
	p0 =	sne.s32 s2, $0x0  }
0x4f: {  	s3 =	rddreg [dreg:$0x2];
	[bflag:$0x3] =	sbarrier.arrive $0xFFFF;
	s2 =	simm.s32 @!p0 $0x1C01  }
0x50: {  	[timem:s3], [sflag:s2] =	dma.local @!p0 [hbm:s0], s1  }
0x51: {  	s0 =	simm.s32 @!p0 $0x1  }
0x52: {  	_ =	swait.ge @!p0 [sflag:s0], s1  }
0x53: {  	s1 =	ssub.s32 @!p0 $0x0, s1;
	[sflag:s0] =	ssyncset.done @!p0 $0x0  }
0x54: {  	[sflag:s0] =	ssyncadd.s32 @!p0 s1  }
0x55: {  	[bflag:$0x3] =	sbarrier.arrive $0xFFFF  }
0x56: {  	_ =	shalt  }

// kernel: sc_scatter.4.cloned.1.call-start
scs
__scs_entry_jumppad:
0x0: {  	(pc) =	sbr.rel $0x88, $3  }
0x1: {  	(tag) =	ssettag $0x0;
	lr =	simm.s32 $0x1  }
0x2: {  	[smem:$0x3F89] =	sst lr;
	_ =	strace $0xD0000000  }
0x3: {  	_ = 	snop  }
0x4: {  	_ = 	snop  }
0x5: {  	_ = 	snop  }
0x6: {  	_ = 	snop  }
0x7: {  	_ = 	snop  }
__scs_overlays_trampoline_lowered:
0x8: {  	[smem:$0x3F98] =	sst s0  }
0x9: {  	[smem:$0x3F99] =	sst s1  }
0xa: {  	[smem:$0x3F9A] =	sst s2  }
0xb: {  	[smem:$0x3F9B] =	sst s3  }
0xc: {  	[smem:$0x3F9C] =	sst s4  }
0xd: {  	[smem:$0x3F9D] =	sst s5  }
0xe: {  	[smem:$0x3F9E] =	sst s6  }
0xf: {  	[smem:$0x3F9F] =	sst s7  }
0x10: {  	[smem:$0x3FA0] =	sst s8  }
0x11: {  	[smem:$0x3FA1] =	sst s9;
	s0 =	simm.s32 @!p0 $0x0  }
0x12: {  	s1 =	sld [smem:$0x3F87];
	s0 =	simm.s32 @p0 $0x1  }
0x13: {  	[smem:$0x3FA2] =	sst s0;
	s0 =	simm.s32 @!p1 $0x0  }
0x14: {  	s2 =	sld [smem:$0x3F86];
	s0 =	simm.s32 @p1 $0x1  }
0x15: {  	[smem:$0x3FA3] =	sst s0;
	s0 =	simm.s32 @!p2 $0x0  }
0x16: {  	s3 =	sld [smem:$0x3FDB];
	s0 =	simm.s32 @p2 $0x1  }
0x17: {  	s4 =	simm.s32 $0x1BF5;
	[smem:$0x3FA5] =	sst s0  }
0x18: {  	s0 =	sld [smem:$0x3F88];
	_ =	swait.ge [sflag:s4], $0x0  }
0x19: {  	s7 =	sld [smem:$0x3F89]  }
0x1a: {  	s8 =	sadd.s32 $0xFFFFE003, lr  }
0x1b: {  	s9 =	sadd.s32 $0xFFFFFEF7, lr;
	s5 =	simm.s32 $0xFFFFFFFF;
	p2 =	slt.u32 s8, $0xFFFFF086  }
0x1c: {  	p1 =	slt.u32 s9, $0xF7A;
	s5 =	simm.s32 @!p2 $0x0  }
0x1d: {  	s5 =	simm.s32 @p1 $0x1;
	p0 =	seq.s32 s7, s2  }
0x1e: {  	s7 =	smul.u32 @!p0 $0xF7A, s2;
	p2 =	seq.s32 @!p0 s5, $0x0  }
0x1f: {  	s9 =	smul.u32 $0xF7A, s1;
	s8 =	simm.s32 @!p0 $0x1BF5;
	p2 =	por !p2, p0  }
0x20: {  	[sflag:s8] =	ssyncset.s32 @!p0 $0xFFFFF086;
	s6 =	sadd.s32 @!p0 s3, s7;
	s7 =	simm.s32 @!p0 $0x108  }
0x21: {  	s3 =	sadd.s32 s3, s9;
	s6 =	sadd.s32 @!p0 $0x88, s6;
	s7 =	simm.s32 @p2 $0x1082  }
0x22: {  	[simem:s7], [sflag:s8] =	dma.local @!p0 [hbm:s6], $0xF7A  }
0x23: {  	s9 =	sor.u32 $0xD0000000, s2;
	s6 =	simm.s32 $0x108;
	_ =	swait.ge @!p0 [sflag:s8], $0x0  }
0x24: {  	s3 =	sadd.s32 $0x88, s3;
	s6 =	simm.s32 @!p1 $0x1082;
	[sflag:s4] =	ssyncset.s32 $0xFFFFF086  }
0x25: {  	[simem:s6], [sflag:s4] =	dma.local [hbm:s3], $0xF7A  }
0x26: {  	[smem:$0x3F89] =	sst s1;
	(tag) =	ssettag s2;
	_ =	strace s9  }
0x27: {  	s1 =	sld [smem:$0x3F99]  }
0x28: {  	s2 =	sld [smem:$0x3F9A]  }
0x29: {  	s4 =	sld [smem:$0x3F9C]  }
0x2a: {  	p0 =	seq.s32 s5, $0x0;
	s5 =	sld [smem:$0x3F9D]  }
0x2b: {  	s6 =	sld [smem:$0x3F9E]  }
0x2c: {  	s7 =	sld [smem:$0x3F9F]  }
0x2d: {  	s3 =	simm.s32 $0x108;
	s8 =	sld [smem:$0x3FA0]  }
0x2e: {  	s3 =	simm.s32 @!p0 $0x1082;
	s9 =	sld [smem:$0x3FA1]  }
0x2f: {  	lr =	sadd.s32 s0, s3;
	s0 =	sld [smem:$0x3F98]  }
0x30: {  	s3 =	sld [smem:$0x3F9B]  }
0x31: {  	[smem:$0x3FA4] =	sst s10  }
0x32: {  	s10 =	sld [smem:$0x3FA2];
	_ =	sdelay $0x3  }
0x33: {  	p0 =	seq.s32 s10, $0x1;
	s10 =	sld [smem:$0x3FA4];
	_ =	sdelay $0x3  }
0x34: {  	[smem:$0x3FA4] =	sst s10  }
0x35: {  	s10 =	sld [smem:$0x3FA3];
	_ =	sdelay $0x3  }
0x36: {  	p1 =	seq.s32 s10, $0x1;
	s10 =	sld [smem:$0x3FA4];
	_ =	sdelay $0x3  }
0x37: {  	[smem:$0x3FA4] =	sst s10  }
0x38: {  	s10 =	sld [smem:$0x3FA5]  }
0x39: {  	_ = 	snop;
	(pc) =	sbr.ind lr, $3  }
0x3a: {  	_ = 	snop  }
0x3b: {  	_ = 	snop  }
0x3c: {  	p2 =	seq.s32 s10, $0x1;
	s10 =	sld [smem:$0x3FA4]  }
0x3d: {  	_ =	shalt  }
0x3e: {  	_ =	shalt  }
0x3f: {  	_ =	shalt  }
0x40: {  	_ =	shalt  }
0x41: {  	_ =	shalt  }
0x42: {  	_ =	shalt  }
0x43: {  	_ =	shalt  }
0x44: {  	_ =	shalt  }
0x45: {  	_ =	shalt  }
0x46: {  	_ =	shalt  }
0x47: {  	_ =	shalt  }
0x48: {  	_ =	shalt  }
0x49: {  	_ =	shalt  }
0x4a: {  	_ =	shalt  }
0x4b: {  	_ =	shalt  }
0x4c: {  	_ =	shalt  }
0x4d: {  	_ =	shalt  }
0x4e: {  	_ =	shalt  }
0x4f: {  	_ =	shalt  }
0x50: {  	_ =	shalt  }
0x51: {  	_ =	shalt  }
0x52: {  	_ =	shalt  }
0x53: {  	_ =	shalt  }
0x54: {  	_ =	shalt  }
0x55: {  	_ =	shalt  }
0x56: {  	_ =	shalt  }
0x57: {  	_ =	shalt  }
0x58: {  	_ =	shalt  }
0x59: {  	_ =	shalt  }
0x5a: {  	_ =	shalt  }
0x5b: {  	_ =	shalt  }
0x5c: {  	_ =	shalt  }
0x5d: {  	_ =	shalt  }
0x5e: {  	_ =	shalt  }
0x5f: {  	_ =	shalt  }
0x60: {  	_ =	shalt  }
0x61: {  	_ =	shalt  }
0x62: {  	_ =	shalt  }
0x63: {  	_ =	shalt  }
0x64: {  	_ =	shalt  }
0x65: {  	_ =	shalt  }
0x66: {  	_ =	shalt  }
0x67: {  	_ =	shalt  }
0x68: {  	_ =	shalt  }
0x69: {  	_ =	shalt  }
0x6a: {  	_ =	shalt  }
0x6b: {  	_ =	shalt  }
0x6c: {  	_ =	shalt  }
0x6d: {  	_ =	shalt  }
0x6e: {  	_ =	shalt  }
0x6f: {  	_ =	shalt  }
0x70: {  	_ =	shalt  }
0x71: {  	_ =	shalt  }
0x72: {  	_ =	shalt  }
0x73: {  	_ =	shalt  }
0x74: {  	_ =	shalt  }
0x75: {  	_ =	shalt  }
0x76: {  	_ =	shalt  }
0x77: {  	_ =	shalt  }
0x78: {  	_ =	shalt  }
0x79: {  	_ =	shalt  }
0x7a: {  	_ =	shalt  }
0x7b: {  	_ =	shalt  }
0x7c: {  	_ =	shalt  }
0x7d: {  	_ =	shalt  }
0x7e: {  	_ =	shalt  }
0x7f: {  	_ =	shalt  }
0x80: {  	_ =	shalt  }
0x81: {  	_ =	shalt  }
0x82: {  	_ =	shalt  }
0x83: {  	_ =	shalt  }
0x84: {  	_ =	shalt  }
0x85: {  	_ =	shalt  }
0x86: {  	_ =	shalt  }
0x87: {  	_ =	shalt  }
.Lfunc_end0:
.L_simem_size_0:
called_computation.1_lowered:
.L_overlay_start_0:
0x88: {  	s2 =	sld [smem:$0x3FD9]  }
0x89: {  	s3 =	sld [smem:$0x3FFE];
	_ =	sdelay $0x1  }
0x8a: {  	s1 =	srdreg.scid  }
0x8b: {  	s0 =	sand.u32 $0x1, s1  }
0x8c: {  	s16 =	sshll.u32 s0, $0xA;
	s2 =	sadd.s32 s3, s2  }
0x8d: {  	s2 =	sadd.s32 s2, s16  }
0x8e: {  	[smem:$0x3FB0] =	sst s2  }
0x8f: {  	_ = 	snop  }
0x90: {  	(tm) =	ssettm $0x1  }
0x91: {  	s17 =	sld [smem:$0x3FFB];
	_ =	sdelay $0x3  }
0x92: {  	_ =	strace s17  }
0x93: {  	s2 =	sld [smem:$0x3FFC];
	_ =	sdelay $0x3  }
0x94: {  	_ =	strace s2  }
0x95: {  	s2 =	sld [smem:$0x3FFD];
	_ =	sdelay $0x3  }
0x96: {  	_ =	strace s2  }
0x97: {  	_ =	strace $0x8FFFFFFF  }
0x98: {  	s18 =	sld [smem:$0x3FDB];
	_ =	sdelay $0x1  }
0x99: {  	s19 =	simm.s32 $_scs_section_size  }
0x9a: {  	s4 =	simm.s32 $_size__tile_overlayer_lowered;
	s5 =	simm.s32 $_tile_overlayer_lowered  }
0x9b: {  	s22 =	simm.s32 $0x1BFF;
	s21 =	sshll.u32 s5, $0x1;
	s2 =	sadd.s32 s19, s18  }
0x9c: {  	s6 =	simm.s32 $0x0;
	s20 =	sshll.u32 s4, $0x1;
	s4 =	sadd.s32 s21, s2  }
0x9d: {  	[timem:s6], [sflag:s22] =	dma.local [hbm:s4], s20  }
0x9e: {  	_ =	swait.ge [sflag:s22], s20  }
0x9f: {  	s3 =	ssub.s32 $0x0, s20;
	[sflag:s22] =	ssyncset.done $0x0  }
0xa0: {  	[sflag:s22] =	ssyncadd.s32 s3;
	_ =	sdelay $0x1  }
0xa1: {  	s23 =	simm.s32 $0x1B8B  }
0xa2: {  	_ =	swait.ge [sflag:s23], $0x1  }
0xa3: {  	[sflag:s23] =	ssyncset.done $0x0  }
0xa4: {  	s25 =	simm.s32 $0x1B8E;
	s24 =	sld [smem:$0x3FFE];
	[sflag:s23] =	ssyncadd.s32 $0xFFFFFFFF  }
0xa5: {  	s26 =	simm.s32 $execute0_lowered;
	[smem:$0x3FD2] =	sst s25  }
0xa6: {  	s4 =	sshll.u32 s26, $0x1;
	_ =	strace $0x80000049;
	[dreg:$0x1] =	wrdreg $0xFFFFFFFF  }
0xa7: {  	s28 =	simm.s32 $_size_execute0_lowered;
	s2 =	sadd.s32 s2, s4;
	[dreg:$0x0] =	wrdreg $0x0  }
0xa8: {  	s4 =	sshll.u32 s28, $0x1;
	[dreg:$0x2] =	wrdreg s2  }
0xa9: {  	[dreg:$0x3] =	wrdreg s4  }
0xaa: {  	[dreg:$0x4] =	wrdreg $0xC0  }
0xab: {  	_ =	task [dreg:s6], $0x5FFFF  }
0xac: {  	[dreg:$0x1] =	wrdreg $0xFFFFFFFF  }
0xad: {  	[dreg:$0x0] =	wrdreg $0x60  }
0xae: {  	[dreg:$0x2] =	wrdreg s24  }
0xaf: {  	[dreg:$0x3] =	wrdreg $0x14C800  }
0xb0: {  	[dreg:$0x4] =	wrdreg $0x9  }
0xb1: {  	_ =	task.clear_ibuf [dreg:s6], $0x5FFFF;
	_ =	strace $0x90000049  }
0xb2: {  	s29 =	simm.s32 $0x9;
	_ =	strace $0x8000004B  }
0xb3: {  	_ =	swait.ge [sflag:s29], $0x1  }
0xb4: {  	[sflag:s29] =	ssyncadd.s32 $0xFFFFFFFF  }
0xb5: {  	_ =	strace $0x9000004B  }
0xb6: {  	_ =	sfence  }
0xb7: {  	s30 =	sld [smem:$0x0];
	_ =	sdelay $0x2  }
0xb8: {  	s31 =	sshll.u32 s1, $0xD;
	s1 =	sshrl.u32 s1, $0x2  }
0xb9: {  	s3 =	sand.u32 $0x4000, s31;
	s1 =	sadd.s32 s1, s30  }
0xba: {  	s0 =	sor.u32 s3, s0;
	s1 =	sshll.u32 s1, $0x11  }
0xbb: {  	s0 =	sor.u32 s1, s0  }
0xbc: {  	s0 =	sadd.s32 $0x8F2B, s0  }
0xbd: {  	[sflag:s0] =	ssyncadd.remote.s32 $0x1  }
0xbe: {  	_ =	sfence.sel $0xFFFF  }
0xbf: {  	[dreg:$0x0] =	wrdreg $0xFFFFFFFF;
	(pc) =	sbr.abs _section_cstart, $3  }
0xc0: {  	[dreg:$0x1] =	wrdreg $0xFFFFFFFF  }
0xc1: {  	_ =	task.clear_ibuf [dreg:s6], $0x2FFFF;
	_ =	strace $0x9FFFFFFF  }
0xc2: {  	(tm) =	ssettm $0x7FFFFFFF  }
0xc3: {  	_ =	shalt  }
tec
execute0_lowered:
.L_overlay_start_1:
0x0: {  	(tag) =	ssettag $0x1  }
0x1: {  	s1 =	srdreg.scid;
	s5 =	rddreg [dreg:$0x0]  }
0x2: {  	s0 =	stileid.u32;
	s2 =	rddreg [dreg:$0x1]  }
0x3: {  	s4 =	sand.u32 $0x1, s1;
	s26 =	sshll.u32 s0, $0x1;
	s8 =	smul.u32 $0x2720, s0  }
0x4: {  	s3 =	simm.s32 $0x0;
	s1 =	sor.u32 s4, s26;
	s9 =	smul.u32 $0x27200, s4  }
0x5: {  	[smem:$0x7FF] =	sst s3;
	s31 =	sshll.u32 s0, $0x6;
	s6 =	smul.u32 $0x2710, s1  }
0x6: {  	s4 =	ssub.s32 $0x2, s4;
	s7 =	smul.u32 $0x280, s1;
	s1 =	rddreg [dreg:$0x2]  }
0x7: {  	_ =	strace $0x8000004A;
	s30 =	sshrl.u32 s8, $0x3;
	s11 =	sshrl.u32 s4, $0x1  }
0x8: {  	s13 =	sadd.s32 s8, s2;
	s29 =	sadd.s32 s8, s9;
	s9 =	sadd.s32 s30, s5  }
0x9: {  	s11 =	ssub.s32 s4, s11;
	s10 =	sadd.s32 s6, s5;
	s28 =	sadd.s32 s7, s5  }
0xa: {  	s7 =	sshrl.u32 s29, $0x3;
	s4 =	sadd.s32 $0x5000, s9;
	s9 =	smax.u32 s11, $0x1  }
0xb: {  	s11 =	simm.s32 $0x1;
	s12 =	sadd.s32 s7, s5;
	s5 =	sor.u32 $0x1C01, s31  }
0xc: {  	s6 =	sadd.s32 $0x5D200, s28;
	s7 =	sadd.s32 $0xF000, s10;
	s10 =	sshrl.u32 s13, $0x3  }
0xd: {  	s13 =	simm.s32 $0x0;
	s8 =	sadd.s32 $0x62200, s12;
	s12 =	simm.s32 $0x7D  }
.LBB2_1:
0xe: {  	[spmem:s10], [sflag:s5] =	dma.local [hbm:s4], $0x4E4  }
0xf: {  	_ =	swait.ge [sflag:s11], $0x4E4  }
0x10: {  	[sflag:s11] =	ssyncset.done $0x0  }
0x11: {  	[sflag:s11] =	ssyncadd.s32 $0xFFFFFB1C  }
0x12: {  	[tilespmem:s3], [sflag:$0x1] =	stream.linear.gather [hbm4b:s6+s3], $0x1400, $0x38;
	[tilespmem:$0x173A0] =	vst v63  }
0x13: {  	_ =	swait.ge [sflag:s11], $0x1400  }
0x14: {  	[sflag:s11] =	ssyncset.done $0x0  }
0x15: {  	s14 =	simm.s32 $0x1400;
	[sflag:s11] =	ssyncadd.s32 $0xFFFFEC00  }
0x16: {  	[tilespmem:s14], [sflag:$0x1] =	stream.linear.gather [hbm4b:s7+s3], $0x13880, $0x38;
	[tilespmem:$0x173A0] =	vst v63  }
0x17: {  	_ =	swait.ge [sflag:s11], $0x13880  }
0x18: {  	[sflag:s11] =	ssyncset.done $0x0  }
0x19: {  	[sflag:s11] =	ssyncadd.s32 $0xFFFEC780  }
0x1a: {  	s15 =	simm.s32 $0x0;
	[bflag:$0x0] =	sbarrier.arrive $0xFFFF  }
0x1b: {  	[spmem:s2] =	stream.indirect.scatter.add.f32 [tilespmem:s14], [sflag:$0x1], $0x10, s15, s12, $0xb8;
	[tilespmem:$0x173A0] =	vst v63  }
0x1c: {  	_ =	swait.ge [sflag:s11], $0x7D0  }
0x1d: {  	s15 =	simm.s32 $0x200;
	[sflag:s11] =	ssyncset.done $0x0  }
.LBB2_2:
0x1e: {  	s16 =	sshra.s32 s15, $0x2  }
0x1f: {  	[sflag:s11] =	ssyncadd.s32 $0xFFFFF830;
	s14 =	sadd.s32 $0x7D0, s14;
	p0 =	sne.s32 s15, $0x4E00  }
0x20: {  	[spmem:s2] =	stream.indirect.scatter.add.f32 [tilespmem:s14], [sflag:$0x1], $0x10, s16, s12, $0xb8;
	[tilespmem:$0x173A0] =	vst v63  }
.Ltmp0:
0x21: {  	_ = 	snop;
	(pc) =	sbr.rel @p0 .LBB2_2-.Ltmp0, $4  }
0x22: {  	_ = 	snop  }
0x23: {  	s15 =	sadd.s32 $0x200, s15  }
0x24: {  	_ =	swait.ge [sflag:s11], $0x7D0  }
0x25: {  	[sflag:s11] =	ssyncset.done $0x0  }
0x26: {  	s13 =	sadd.s32 $0x1, s13  }
0x27: {  	[sflag:s11] =	ssyncadd.s32 $0xFFFFF830;
	p0 =	sne.s32 s13, s9  }
.Ltmp1:
0x28: {  	[bflag:$0x0] =	sbarrier.arrive $0xFFFF;
	(pc) =	sbr.rel @p0 .LBB2_1-.Ltmp1, $4  }
0x29: {  	[hbm:s8], [sflag:s5] =	dma.local [spmem:s10], $0x4E4  }
0x2a: {  	_ =	swait.ge [sflag:s11], $0x4E4  }
0x2b: {  	[sflag:s11] =	ssyncset.done $0x0  }
0x2c: {  	[sflag:s11] =	ssyncadd.s32 $0xFFFFFB1C  }
0x2d: {  	_ =	sfence.sel $0x180000  }
0x2e: {  	[bflag:$0x0] =	sbarrier.arrive $0xFFFF  }
0x2f: {  	p0 =	sne.s32 s0, $0x0;
	_ =	strace $0x9000004A  }
0x30: {  	s0 =	sadd.s32 @!p0 $0x100000, s1;
	[bflag:$0x2] =	sbarrier.arrive $0xFFFF  }
0x31: {  	[sflag:s0] =	ssyncadd.tile.s32 @!p0 $0x1;
	_ =	shalt  }
.Lfunc_end2:
_tile_overlayer_lowered:
.L_overlay_start_2:
0x32: {  	(tag) =	ssettag $0x2  }
0x33: {  	s0 =	rddreg [dreg:$0x0];
	s2 =	stileid.u32  }
0x34: {  	s1 =	rddreg [dreg:$0x1];
	p0 =	sne.s32 s2, $0x0  }
0x35: {  	s3 =	rddreg [dreg:$0x2];
	[bflag:$0x3] =	sbarrier.arrive $0xFFFF;
	s2 =	simm.s32 @!p0 $0x1C01  }
0x36: {  	[timem:s3], [sflag:s2] =	dma.local @!p0 [hbm:s0], s1  }
0x37: {  	s0 =	simm.s32 @!p0 $0x1  }
0x38: {  	_ =	swait.ge @!p0 [sflag:s0], s1  }
0x39: {  	s1 =	ssub.s32 @!p0 $0x0, s1;
	[sflag:s0] =	ssyncset.done @!p0 $0x0  }
0x3a: {  	[sflag:s0] =	ssyncadd.s32 @!p0 s1  }
0x3b: {  	[bflag:$0x3] =	sbarrier.arrive $0xFFFF  }
0x3c: {  	_ =	shalt  }

// kernel: sc_scatter.7.cloned.1.call-start
scs
__scs_entry_jumppad:
0x0: {  	(pc) =	sbr.rel $0x88, $3  }
0x1: {  	(tag) =	ssettag $0x0;
	lr =	simm.s32 $0x1  }
0x2: {  	[smem:$0x3F89] =	sst lr;
	_ =	strace $0xD0000000  }
0x3: {  	_ = 	snop  }
0x4: {  	_ = 	snop  }
0x5: {  	_ = 	snop  }
0x6: {  	_ = 	snop  }
0x7: {  	_ = 	snop  }
__scs_overlays_trampoline_lowered:
0x8: {  	[smem:$0x3F98] =	sst s0  }
0x9: {  	[smem:$0x3F99] =	sst s1  }
0xa: {  	[smem:$0x3F9A] =	sst s2  }
0xb: {  	[smem:$0x3F9B] =	sst s3  }
0xc: {  	[smem:$0x3F9C] =	sst s4  }
0xd: {  	[smem:$0x3F9D] =	sst s5  }
0xe: {  	[smem:$0x3F9E] =	sst s6  }
0xf: {  	[smem:$0x3F9F] =	sst s7  }
0x10: {  	[smem:$0x3FA0] =	sst s8  }
0x11: {  	[smem:$0x3FA1] =	sst s9;
	s0 =	simm.s32 @!p0 $0x0  }
0x12: {  	s1 =	sld [smem:$0x3F87];
	s0 =	simm.s32 @p0 $0x1  }
0x13: {  	[smem:$0x3FA2] =	sst s0;
	s0 =	simm.s32 @!p1 $0x0  }
0x14: {  	s2 =	sld [smem:$0x3F86];
	s0 =	simm.s32 @p1 $0x1  }
0x15: {  	[smem:$0x3FA3] =	sst s0;
	s0 =	simm.s32 @!p2 $0x0  }
0x16: {  	s3 =	sld [smem:$0x3FDB];
	s0 =	simm.s32 @p2 $0x1  }
0x17: {  	s4 =	simm.s32 $0x1BF5;
	[smem:$0x3FA5] =	sst s0  }
0x18: {  	s0 =	sld [smem:$0x3F88];
	_ =	swait.ge [sflag:s4], $0x0  }
0x19: {  	s7 =	sld [smem:$0x3F89]  }
0x1a: {  	s8 =	sadd.s32 $0xFFFFE003, lr  }
0x1b: {  	s9 =	sadd.s32 $0xFFFFFEF7, lr;
	s5 =	simm.s32 $0xFFFFFFFF;
	p2 =	slt.u32 s8, $0xFFFFF086  }
0x1c: {  	p1 =	slt.u32 s9, $0xF7A;
	s5 =	simm.s32 @!p2 $0x0  }
0x1d: {  	s5 =	simm.s32 @p1 $0x1;
	p0 =	seq.s32 s7, s2  }
0x1e: {  	s7 =	smul.u32 @!p0 $0xF7A, s2;
	p2 =	seq.s32 @!p0 s5, $0x0  }
0x1f: {  	s9 =	smul.u32 $0xF7A, s1;
	s8 =	simm.s32 @!p0 $0x1BF5;
	p2 =	por !p2, p0  }
0x20: {  	[sflag:s8] =	ssyncset.s32 @!p0 $0xFFFFF086;
	s6 =	sadd.s32 @!p0 s3, s7;
	s7 =	simm.s32 @!p0 $0x108  }
0x21: {  	s3 =	sadd.s32 s3, s9;
	s6 =	sadd.s32 @!p0 $0x88, s6;
	s7 =	simm.s32 @p2 $0x1082  }
0x22: {  	[simem:s7], [sflag:s8] =	dma.local @!p0 [hbm:s6], $0xF7A  }
0x23: {  	s9 =	sor.u32 $0xD0000000, s2;
	s6 =	simm.s32 $0x108;
	_ =	swait.ge @!p0 [sflag:s8], $0x0  }
0x24: {  	s3 =	sadd.s32 $0x88, s3;
	s6 =	simm.s32 @!p1 $0x1082;
	[sflag:s4] =	ssyncset.s32 $0xFFFFF086  }
0x25: {  	[simem:s6], [sflag:s4] =	dma.local [hbm:s3], $0xF7A  }
0x26: {  	[smem:$0x3F89] =	sst s1;
	(tag) =	ssettag s2;
	_ =	strace s9  }
0x27: {  	s1 =	sld [smem:$0x3F99]  }
0x28: {  	s2 =	sld [smem:$0x3F9A]  }
0x29: {  	s4 =	sld [smem:$0x3F9C]  }
0x2a: {  	p0 =	seq.s32 s5, $0x0;
	s5 =	sld [smem:$0x3F9D]  }
0x2b: {  	s6 =	sld [smem:$0x3F9E]  }
0x2c: {  	s7 =	sld [smem:$0x3F9F]  }
0x2d: {  	s3 =	simm.s32 $0x108;
	s8 =	sld [smem:$0x3FA0]  }
0x2e: {  	s3 =	simm.s32 @!p0 $0x1082;
	s9 =	sld [smem:$0x3FA1]  }
0x2f: {  	lr =	sadd.s32 s0, s3;
	s0 =	sld [smem:$0x3F98]  }
0x30: {  	s3 =	sld [smem:$0x3F9B]  }
0x31: {  	[smem:$0x3FA4] =	sst s10  }
0x32: {  	s10 =	sld [smem:$0x3FA2];
	_ =	sdelay $0x3  }
0x33: {  	p0 =	seq.s32 s10, $0x1;
	s10 =	sld [smem:$0x3FA4];
	_ =	sdelay $0x3  }
0x34: {  	[smem:$0x3FA4] =	sst s10  }
0x35: {  	s10 =	sld [smem:$0x3FA3];
	_ =	sdelay $0x3  }
0x36: {  	p1 =	seq.s32 s10, $0x1;
	s10 =	sld [smem:$0x3FA4];
	_ =	sdelay $0x3  }
0x37: {  	[smem:$0x3FA4] =	sst s10  }
0x38: {  	s10 =	sld [smem:$0x3FA5]  }
0x39: {  	_ = 	snop;
	(pc) =	sbr.ind lr, $3  }
0x3a: {  	_ = 	snop  }
0x3b: {  	_ = 	snop  }
0x3c: {  	p2 =	seq.s32 s10, $0x1;
	s10 =	sld [smem:$0x3FA4]  }
0x3d: {  	_ =	shalt  }
0x3e: {  	_ =	shalt  }
0x3f: {  	_ =	shalt  }
0x40: {  	_ =	shalt  }
0x41: {  	_ =	shalt  }
0x42: {  	_ =	shalt  }
0x43: {  	_ =	shalt  }
0x44: {  	_ =	shalt  }
0x45: {  	_ =	shalt  }
0x46: {  	_ =	shalt  }
0x47: {  	_ =	shalt  }
0x48: {  	_ =	shalt  }
0x49: {  	_ =	shalt  }
0x4a: {  	_ =	shalt  }
0x4b: {  	_ =	shalt  }
0x4c: {  	_ =	shalt  }
0x4d: {  	_ =	shalt  }
0x4e: {  	_ =	shalt  }
0x4f: {  	_ =	shalt  }
0x50: {  	_ =	shalt  }
0x51: {  	_ =	shalt  }
0x52: {  	_ =	shalt  }
0x53: {  	_ =	shalt  }
0x54: {  	_ =	shalt  }
0x55: {  	_ =	shalt  }
0x56: {  	_ =	shalt  }
0x57: {  	_ =	shalt  }
0x58: {  	_ =	shalt  }
0x59: {  	_ =	shalt  }
0x5a: {  	_ =	shalt  }
0x5b: {  	_ =	shalt  }
0x5c: {  	_ =	shalt  }
0x5d: {  	_ =	shalt  }
0x5e: {  	_ =	shalt  }
0x5f: {  	_ =	shalt  }
0x60: {  	_ =	shalt  }
0x61: {  	_ =	shalt  }
0x62: {  	_ =	shalt  }
0x63: {  	_ =	shalt  }
0x64: {  	_ =	shalt  }
0x65: {  	_ =	shalt  }
0x66: {  	_ =	shalt  }
0x67: {  	_ =	shalt  }
0x68: {  	_ =	shalt  }
0x69: {  	_ =	shalt  }
0x6a: {  	_ =	shalt  }
0x6b: {  	_ =	shalt  }
0x6c: {  	_ =	shalt  }
0x6d: {  	_ =	shalt  }
0x6e: {  	_ =	shalt  }
0x6f: {  	_ =	shalt  }
0x70: {  	_ =	shalt  }
0x71: {  	_ =	shalt  }
0x72: {  	_ =	shalt  }
0x73: {  	_ =	shalt  }
0x74: {  	_ =	shalt  }
0x75: {  	_ =	shalt  }
0x76: {  	_ =	shalt  }
0x77: {  	_ =	shalt  }
0x78: {  	_ =	shalt  }
0x79: {  	_ =	shalt  }
0x7a: {  	_ =	shalt  }
0x7b: {  	_ =	shalt  }
0x7c: {  	_ =	shalt  }
0x7d: {  	_ =	shalt  }
0x7e: {  	_ =	shalt  }
0x7f: {  	_ =	shalt  }
0x80: {  	_ =	shalt  }
0x81: {  	_ =	shalt  }
0x82: {  	_ =	shalt  }
0x83: {  	_ =	shalt  }
0x84: {  	_ =	shalt  }
0x85: {  	_ =	shalt  }
0x86: {  	_ =	shalt  }
0x87: {  	_ =	shalt  }
.Lfunc_end0:
.L_simem_size_0:
called_computation.3_lowered:
.L_overlay_start_0:
0x88: {  	s2 =	sld [smem:$0x3FD9]  }
0x89: {  	s3 =	sld [smem:$0x3FFE];
	_ =	sdelay $0x1  }
0x8a: {  	s1 =	srdreg.scid  }
0x8b: {  	s0 =	sand.u32 $0x1, s1  }
0x8c: {  	s16 =	sshll.u32 s0, $0xA;
	s2 =	sadd.s32 s3, s2  }
0x8d: {  	s2 =	sadd.s32 s2, s16  }
0x8e: {  	[smem:$0x3FB0] =	sst s2  }
0x8f: {  	_ = 	snop  }
0x90: {  	(tm) =	ssettm $0x1  }
0x91: {  	s17 =	sld [smem:$0x3FFB];
	_ =	sdelay $0x3  }
0x92: {  	_ =	strace s17  }
0x93: {  	s2 =	sld [smem:$0x3FFC];
	_ =	sdelay $0x3  }
0x94: {  	_ =	strace s2  }
0x95: {  	s2 =	sld [smem:$0x3FFD];
	_ =	sdelay $0x3  }
0x96: {  	_ =	strace s2  }
0x97: {  	_ =	strace $0x8FFFFFFF  }
0x98: {  	s18 =	sld [smem:$0x3FDB];
	_ =	sdelay $0x1  }
0x99: {  	s19 =	simm.s32 $_scs_section_size  }
0x9a: {  	s4 =	simm.s32 $_size__tile_overlayer_lowered;
	s5 =	simm.s32 $_tile_overlayer_lowered  }
0x9b: {  	s22 =	simm.s32 $0x1BFF;
	s21 =	sshll.u32 s5, $0x1;
	s2 =	sadd.s32 s19, s18  }
0x9c: {  	s6 =	simm.s32 $0x0;
	s20 =	sshll.u32 s4, $0x1;
	s4 =	sadd.s32 s21, s2  }
0x9d: {  	[timem:s6], [sflag:s22] =	dma.local [hbm:s4], s20  }
0x9e: {  	_ =	swait.ge [sflag:s22], s20  }
0x9f: {  	s3 =	ssub.s32 $0x0, s20;
	[sflag:s22] =	ssyncset.done $0x0  }
0xa0: {  	[sflag:s22] =	ssyncadd.s32 s3;
	_ =	sdelay $0x1  }
0xa1: {  	s23 =	simm.s32 $0x1B8B  }
0xa2: {  	_ =	swait.ge [sflag:s23], $0x1  }
0xa3: {  	[sflag:s23] =	ssyncset.done $0x0  }
0xa4: {  	s25 =	simm.s32 $0x1B8E;
	s24 =	sld [smem:$0x3FFE];
	[sflag:s23] =	ssyncadd.s32 $0xFFFFFFFF  }
0xa5: {  	s26 =	simm.s32 $execute0_lowered;
	[smem:$0x3FD2] =	sst s25  }
0xa6: {  	s4 =	sshll.u32 s26, $0x1;
	_ =	strace $0x8000004F;
	[dreg:$0x1] =	wrdreg $0xFFFFFFFF  }
0xa7: {  	s28 =	simm.s32 $_size_execute0_lowered;
	s2 =	sadd.s32 s2, s4;
	[dreg:$0x0] =	wrdreg $0x0  }
0xa8: {  	s4 =	sshll.u32 s28, $0x1;
	[dreg:$0x2] =	wrdreg s2  }
0xa9: {  	[dreg:$0x3] =	wrdreg s4  }
0xaa: {  	[dreg:$0x4] =	wrdreg $0xC0  }
0xab: {  	_ =	task [dreg:s6], $0x5FFFF  }
0xac: {  	[dreg:$0x1] =	wrdreg $0xFFFFFFFF  }
0xad: {  	[dreg:$0x0] =	wrdreg $0x60  }
0xae: {  	[dreg:$0x2] =	wrdreg s24  }
0xaf: {  	[dreg:$0x3] =	wrdreg $0x14C800  }
0xb0: {  	[dreg:$0x4] =	wrdreg $0x9  }
0xb1: {  	_ =	task.clear_ibuf [dreg:s6], $0x5FFFF;
	_ =	strace $0x9000004F  }
0xb2: {  	s29 =	simm.s32 $0x9;
	_ =	strace $0x80000051  }
0xb3: {  	_ =	swait.ge [sflag:s29], $0x1  }
0xb4: {  	[sflag:s29] =	ssyncadd.s32 $0xFFFFFFFF  }
0xb5: {  	_ =	strace $0x90000051  }
0xb6: {  	_ =	sfence  }
0xb7: {  	s30 =	sld [smem:$0x0];
	_ =	sdelay $0x2  }
0xb8: {  	s31 =	sshll.u32 s1, $0xD;
	s1 =	sshrl.u32 s1, $0x2  }
0xb9: {  	s3 =	sand.u32 $0x4000, s31;
	s1 =	sadd.s32 s1, s30  }
0xba: {  	s0 =	sor.u32 s3, s0;
	s1 =	sshll.u32 s1, $0x11  }
0xbb: {  	s0 =	sor.u32 s1, s0  }
0xbc: {  	s0 =	sadd.s32 $0x8F2B, s0  }
0xbd: {  	[sflag:s0] =	ssyncadd.remote.s32 $0x1  }
0xbe: {  	_ =	sfence.sel $0xFFFF  }
0xbf: {  	[dreg:$0x0] =	wrdreg $0xFFFFFFFF;
	(pc) =	sbr.abs _section_cstart, $3  }
0xc0: {  	[dreg:$0x1] =	wrdreg $0xFFFFFFFF  }
0xc1: {  	_ =	task.clear_ibuf [dreg:s6], $0x2FFFF;
	_ =	strace $0x9FFFFFFF  }
0xc2: {  	(tm) =	ssettm $0x7FFFFFFF  }
0xc3: {  	_ =	shalt  }
tec
execute0_lowered:
.L_overlay_start_1:
0x0: {  	(tag) =	ssettag $0x1  }
0x1: {  	s1 =	srdreg.scid;
	s5 =	rddreg [dreg:$0x0]  }
0x2: {  	s0 =	stileid.u32;
	s2 =	rddreg [dreg:$0x1]  }
0x3: {  	s4 =	sand.u32 $0x1, s1;
	s26 =	sshll.u32 s0, $0x1;
	s8 =	smul.u32 $0x2720, s0  }
0x4: {  	s3 =	simm.s32 $0x0;
	s1 =	sor.u32 s4, s26;
	s9 =	smul.u32 $0x27200, s4  }
0x5: {  	[smem:$0x7FF] =	sst s3;
	s31 =	sshll.u32 s0, $0x6;
	s6 =	smul.u32 $0x2710, s1  }
0x6: {  	s4 =	ssub.s32 $0x2, s4;
	s7 =	smul.u32 $0x280, s1;
	s1 =	rddreg [dreg:$0x2]  }
0x7: {  	_ =	strace $0x80000050;
	s30 =	sshrl.u32 s8, $0x3;
	s11 =	sshrl.u32 s4, $0x1  }
0x8: {  	s13 =	sadd.s32 s8, s2;
	s29 =	sadd.s32 s8, s9;
	s9 =	sadd.s32 s30, s5  }
0x9: {  	s11 =	ssub.s32 s4, s11;
	s10 =	sadd.s32 s6, s5;
	s28 =	sadd.s32 s7, s5  }
0xa: {  	s7 =	sshrl.u32 s29, $0x3;
	s4 =	sadd.s32 $0x5000, s9;
	s9 =	smax.u32 s11, $0x1  }
0xb: {  	s11 =	simm.s32 $0x1;
	s12 =	sadd.s32 s7, s5;
	s5 =	sor.u32 $0x1C01, s31  }
0xc: {  	s6 =	sadd.s32 $0x5D200, s28;
	s7 =	sadd.s32 $0xA000, s10;
	s10 =	sshrl.u32 s13, $0x3  }
0xd: {  	s13 =	simm.s32 $0x0;
	s8 =	sadd.s32 $0x62200, s12;
	s12 =	simm.s32 $0x7D  }
.LBB2_1:
0xe: {  	[spmem:s10], [sflag:s5] =	dma.local [hbm:s4], $0x4E4  }
0xf: {  	_ =	swait.ge [sflag:s11], $0x4E4  }
0x10: {  	[sflag:s11] =	ssyncset.done $0x0  }
0x11: {  	[sflag:s11] =	ssyncadd.s32 $0xFFFFFB1C  }
0x12: {  	[tilespmem:s3], [sflag:$0x1] =	stream.linear.gather [hbm4b:s6+s3], $0x1400, $0x38;
	[tilespmem:$0x173A0] =	vst v63  }
0x13: {  	_ =	swait.ge [sflag:s11], $0x1400  }
0x14: {  	[sflag:s11] =	ssyncset.done $0x0  }
0x15: {  	s14 =	simm.s32 $0x1400;
	[sflag:s11] =	ssyncadd.s32 $0xFFFFEC00  }
0x16: {  	[tilespmem:s14], [sflag:$0x1] =	stream.linear.gather [hbm4b:s7+s3], $0x13880, $0x38;
	[tilespmem:$0x173A0] =	vst v63  }
0x17: {  	_ =	swait.ge [sflag:s11], $0x13880  }
0x18: {  	[sflag:s11] =	ssyncset.done $0x0  }
0x19: {  	[sflag:s11] =	ssyncadd.s32 $0xFFFEC780  }
0x1a: {  	s15 =	simm.s32 $0x0;
	[bflag:$0x0] =	sbarrier.arrive $0xFFFF  }
0x1b: {  	[spmem:s2] =	stream.indirect.scatter.add.f32 [tilespmem:s14], [sflag:$0x1], $0x10, s15, s12, $0xb8;
	[tilespmem:$0x173A0] =	vst v63  }
0x1c: {  	_ =	swait.ge [sflag:s11], $0x7D0  }
0x1d: {  	s15 =	simm.s32 $0x200;
	[sflag:s11] =	ssyncset.done $0x0  }
.LBB2_2:
0x1e: {  	s16 =	sshra.s32 s15, $0x2  }
0x1f: {  	[sflag:s11] =	ssyncadd.s32 $0xFFFFF830;
	s14 =	sadd.s32 $0x7D0, s14;
	p0 =	sne.s32 s15, $0x4E00  }
0x20: {  	[spmem:s2] =	stream.indirect.scatter.add.f32 [tilespmem:s14], [sflag:$0x1], $0x10, s16, s12, $0xb8;
	[tilespmem:$0x173A0] =	vst v63  }
.Ltmp0:
0x21: {  	_ = 	snop;
	(pc) =	sbr.rel @p0 .LBB2_2-.Ltmp0, $4  }
0x22: {  	_ = 	snop  }
0x23: {  	s15 =	sadd.s32 $0x200, s15  }
0x24: {  	_ =	swait.ge [sflag:s11], $0x7D0  }
0x25: {  	[sflag:s11] =	ssyncset.done $0x0  }
0x26: {  	s13 =	sadd.s32 $0x1, s13  }
0x27: {  	[sflag:s11] =	ssyncadd.s32 $0xFFFFF830;
	p0 =	sne.s32 s13, s9  }
.Ltmp1:
0x28: {  	[bflag:$0x0] =	sbarrier.arrive $0xFFFF;
	(pc) =	sbr.rel @p0 .LBB2_1-.Ltmp1, $4  }
0x29: {  	[hbm:s8], [sflag:s5] =	dma.local [spmem:s10], $0x4E4  }
0x2a: {  	_ =	swait.ge [sflag:s11], $0x4E4  }
0x2b: {  	[sflag:s11] =	ssyncset.done $0x0  }
0x2c: {  	[sflag:s11] =	ssyncadd.s32 $0xFFFFFB1C  }
0x2d: {  	_ =	sfence.sel $0x180000  }
0x2e: {  	[bflag:$0x0] =	sbarrier.arrive $0xFFFF  }
0x2f: {  	p0 =	sne.s32 s0, $0x0;
	_ =	strace $0x90000050  }
0x30: {  	s0 =	sadd.s32 @!p0 $0x100000, s1;
	[bflag:$0x2] =	sbarrier.arrive $0xFFFF  }
0x31: {  	[sflag:s0] =	ssyncadd.tile.s32 @!p0 $0x1;
	_ =	shalt  }
.Lfunc_end2:
_tile_overlayer_lowered:
.L_overlay_start_2:
0x32: {  	(tag) =	ssettag $0x2  }
0x33: {  	s0 =	rddreg [dreg:$0x0];
	s2 =	stileid.u32  }
0x34: {  	s1 =	rddreg [dreg:$0x1];
	p0 =	sne.s32 s2, $0x0  }
0x35: {  	s3 =	rddreg [dreg:$0x2];
	[bflag:$0x3] =	sbarrier.arrive $0xFFFF;
	s2 =	simm.s32 @!p0 $0x1C01  }
0x36: {  	[timem:s3], [sflag:s2] =	dma.local @!p0 [hbm:s0], s1  }
0x37: {  	s0 =	simm.s32 @!p0 $0x1  }
0x38: {  	_ =	swait.ge @!p0 [sflag:s0], s1  }
0x39: {  	s1 =	ssub.s32 @!p0 $0x0, s1;
	[sflag:s0] =	ssyncset.done @!p0 $0x0  }
0x3a: {  	[sflag:s0] =	ssyncadd.s32 @!p0 s1  }
0x3b: {  	[bflag:$0x3] =	sbarrier.arrive $0xFFFF  }
0x3c: {  	_ =	shalt  }

</sc_bundles>
